<compile_context>
chip_gen: v7x
topology: tpu7x:2x2x1
jax: 0.10.2.dev20260603
libtpu: 0.0.44.dev20260713+nightly
codegen_flags: <defaults>
</compile_context>

<pallas_src>
import functools

import jax
import jax.numpy as jnp
from jax import lax
from jax.experimental import pallas as pl
from jax.experimental.pallas import tpu as pltpu
from jax.experimental.pallas import tpu_sc as plsc

_B = 16384
_NW = 32
_BPW = _B // _NW
_CH = 128
_NCH = _BPW // _CH
_ROWS = _B // _CH
_L = 16


def _make_sc_kernel():
    mesh = plsc.VectorSubcoreMesh(core_axis_name="c", subcore_axis_name="s")

    @functools.partial(
        pl.kernel,
        mesh=mesh,
        out_type=jax.ShapeDtypeStruct((_B,), jnp.float32),
        scratch_types=[
            pltpu.VMEM((_BPW,), jnp.int32),
            pltpu.VMEM((_BPW,), jnp.int32),
            pltpu.VMEM((_BPW,), jnp.float32),
            pltpu.VMEM((_BPW,), jnp.float32),
            pltpu.SemaphoreType.DMA,
            pltpu.SemaphoreType.DMA,
            pltpu.SemaphoreType.DMA,
        ],
    )
    def body(x_hbm, ut_hbm, mt_hbm, out_hbm, uid_v, mid_v, uv_v, mv_v,
             semu, semm, sem):
        wid = lax.axis_index("s") * 2 + lax.axis_index("c")
        r0 = 2 * wid * _NCH
        iu, im = [], []
        for j in range(_NCH):
            iu.append(pltpu.async_copy(
                x_hbm.at[r0 + 2 * j], uid_v.at[pl.ds(j * _CH, _CH)], semu))
            im.append(pltpu.async_copy(
                x_hbm.at[r0 + 2 * j + 1], mid_v.at[pl.ds(j * _CH, _CH)], semm))
        for h in iu:
            h.wait()
        hu = pltpu.async_copy(ut_hbm.at[0].at[uid_v], uv_v, sem)
        for h in im:
            h.wait()
        hm = pltpu.async_copy(mt_hbm.at[0].at[mid_v], mv_v, sem)
        hu.wait()
        hm.wait()
        for i in range(_BPW // _L):
            sl = pl.ds(i * _L, _L)
            uv_v[sl] = uv_v[sl] * mv_v[sl]
        pltpu.sync_copy(uv_v, out_hbm.at[pl.ds(wid * _BPW, _BPW)])

    return body


_SC_KERNEL = _make_sc_kernel()


def kernel(x, u_table, m_table, fc_w, fc_b):
    xb = x.reshape(_ROWS, _CH, 2).transpose(0, 2, 1).reshape(2 * _ROWS, _CH)
    ut = u_table.reshape(1, -1)
    mt = m_table.reshape(1, -1)
    p = _SC_KERNEL(xb, ut, mt)
    out = jax.nn.sigmoid(p * fc_w.reshape(()) + fc_b[0])
    return out.reshape(_B, 1)

# --- scband reference (transcript-rebuilt; emitter-appended) ---
"""Pipeline reference for scband-user-movie-embedding-47493748359281 (READ-ONLY COPY).

The authoritative reference and input builder live on the scoring server;
editing this copy changes nothing except your own understanding.
"""

import jax, jax.numpy as jnp
import numpy as np

LEN_USERS = 1000000
LEN_MOVIES = 1000000
EMBED_DIM = 1
BATCH = 16384

def setup_inputs(seed: int = 0) -> dict:
    key = jax.random.key(seed)
    k1, k2, k3, k4 = jax.random.split(key, 4)
    x = jax.random.randint(k1, (BATCH, 2), 0, LEN_USERS)
    u_table = jax.random.normal(k2, (LEN_USERS, EMBED_DIM), dtype=jnp.float32)
    m_table = jax.random.normal(k3, (LEN_MOVIES, EMBED_DIM), dtype=jnp.float32)
    fc_w = jax.random.normal(k4, (1, EMBED_DIM), dtype=jnp.float32) * (1.0 / np.sqrt(EMBED_DIM))
    fc_b = jnp.zeros((1,), dtype=jnp.float32)
    return {"x": x, "u_table": u_table, "m_table": m_table, "fc_w": fc_w, "fc_b": fc_b}

def reference(x, u_table, m_table, fc_w, fc_b):
    user_ids = x[:, 0]
    movie_ids = x[:, 1]
    uemb = jnp.take(u_table, user_ids, axis=0)
    memb = jnp.take(m_table, movie_ids, axis=0)
    m_u = jnp.sum(uemb * memb, axis=1, keepdims=True)
    out = m_u @ fc_w.T + fc_b
    return jax.nn.sigmoid(out)

if __name__ == "__main__":
    import jax
    _d = setup_inputs()
    print(jax.jit(kernel)(*tuple(_d.values())))

</pallas_src>

<mosaic_0001>
#map = affine_map<(d0, d1) -> (0, 0)>
#map1 = affine_map<(d0, d1) -> (0)>
module attributes {stable_mosaic.version = 14 : i64} {
  func.func @body(%arg0: i32, %arg1: i32, %arg2: memref<256x128xi32, #tpu.memory_space<hbm>>, %arg3: memref<1x1000000xf32, #tpu.memory_space<hbm>>, %arg4: memref<1x1000000xf32, #tpu.memory_space<hbm>>, %arg5: memref<16384xf32, #tpu.memory_space<hbm>>, %arg6: memref<512xi32, #tpu.memory_space<vmem>>, %arg7: memref<512xi32, #tpu.memory_space<vmem>>, %arg8: memref<512xf32, #tpu.memory_space<vmem>>, %arg9: memref<512xf32, #tpu.memory_space<vmem>>, %arg10: memref<!tpu.dma_semaphore, #tpu.memory_space<semaphore_mem>>, %arg11: memref<!tpu.dma_semaphore, #tpu.memory_space<semaphore_mem>>, %arg12: memref<!tpu.dma_semaphore, #tpu.memory_space<semaphore_mem>>) attributes {dimension_semantics = [#tpu.dimension_semantics<core_parallel>, #tpu.dimension_semantics<subcore_parallel>], iteration_bounds = array<i64: 2, 16>, scalar_prefetch = 0 : i64, scratch_operands = 7 : i64, tpu.core_type = #tpu.core_type<sc_vector_subcore>, window_params = [{transform_indices = #map}, {transform_indices = #map}, {transform_indices = #map}, {transform_indices = #map1}]} {
    %mul3A = arith.constant 2 : i32
    %mul3A_0 = arith.muli %arg1, %mul3A : i32
    %add3A = arith.addi %mul3A_0, %arg0 : i32
    %mul3A_1 = arith.constant 2 : i32
    %mul3A_2 = arith.muli %mul3A_1, %add3A : i32
    %mul3A_3 = arith.constant 4 : i32
    %mul3A_4 = arith.muli %mul3A_2, %mul3A_3 : i32
    %add3A_5 = arith.constant 0 : i32
    %add3A_6 = arith.addi %mul3A_4, %add3A_5 : i32
    %dma_start3A = arith.constant 0 : i32
    %dma_start3A_7 = tpu.memref_slice %arg6[%dma_start3A] : memref<512xi32, #tpu.memory_space<vmem>> -> memref<128xi32, #tpu.memory_space<vmem>>
    %dma_start3A_8 = arith.constant 0 : i32
    %dma_start3A_9 = tpu.memref_slice %arg2[%add3A_6, %dma_start3A_8] : memref<256x128xi32, #tpu.memory_space<hbm>> -> memref<1x128xi32, #tpu.memory_space<hbm>>
    %dma_start3A_10 = tpu.memref_squeeze %dma_start3A_9 : memref<1x128xi32, #tpu.memory_space<hbm>> -> memref<128xi32, #tpu.memory_space<hbm>>
    %dma_start3A_11 = arith.constant 0 : i32
    %dma_start3A_12 = tpu.memref_slice %arg6[%dma_start3A_11] : memref<512xi32, #tpu.memory_space<vmem>> -> memref<128xi32, #tpu.memory_space<vmem>>
    %dma_start3A_13 = arith.constant 0 : i32
    %dma_start3A_14 = tpu.memref_slice %arg2[%add3A_6, %dma_start3A_13] : memref<256x128xi32, #tpu.memory_space<hbm>> -> memref<1x128xi32, #tpu.memory_space<hbm>>
    %dma_start3A_15 = tpu.memref_squeeze %dma_start3A_14 : memref<1x128xi32, #tpu.memory_space<hbm>> -> memref<128xi32, #tpu.memory_space<hbm>>
    tpu.enqueue_dma source(%dma_start3A_15 : memref<128xi32, #tpu.memory_space<hbm>>) target(%dma_start3A_12 : memref<128xi32, #tpu.memory_space<vmem>>) target_semaphore(%arg10 : memref<!tpu.dma_semaphore, #tpu.memory_space<semaphore_mem>>)
    %add3A_16 = arith.constant 0 : i32
    %add3A_17 = arith.addi %mul3A_4, %add3A_16 : i32
    %add3A_18 = arith.constant 1 : i32
    %add3A_19 = arith.addi %add3A_17, %add3A_18 : i32
    %dma_start3A_20 = arith.constant 0 : i32
    %dma_start3A_21 = tpu.memref_slice %arg7[%dma_start3A_20] : memref<512xi32, #tpu.memory_space<vmem>> -> memref<128xi32, #tpu.memory_space<vmem>>
    %dma_start3A_22 = arith.constant 0 : i32
    %dma_start3A_23 = tpu.memref_slice %arg2[%add3A_19, %dma_start3A_22] : memref<256x128xi32, #tpu.memory_space<hbm>> -> memref<1x128xi32, #tpu.memory_space<hbm>>
    %dma_start3A_24 = tpu.memref_squeeze %dma_start3A_23 : memref<1x128xi32, #tpu.memory_space<hbm>> -> memref<128xi32, #tpu.memory_space<hbm>>
    %dma_start3A_25 = arith.constant 0 : i32
    %dma_start3A_26 = tpu.memref_slice %arg7[%dma_start3A_25] : memref<512xi32, #tpu.memory_space<vmem>> -> memref<128xi32, #tpu.memory_space<vmem>>
    %dma_start3A_27 = arith.constant 0 : i32
    %dma_start3A_28 = tpu.memref_slice %arg2[%add3A_19, %dma_start3A_27] : memref<256x128xi32, #tpu.memory_space<hbm>> -> memref<1x128xi32, #tpu.memory_space<hbm>>
    %dma_start3A_29 = tpu.memref_squeeze %dma_start3A_28 : memref<1x128xi32, #tpu.memory_space<hbm>> -> memref<128xi32, #tpu.memory_space<hbm>>
    tpu.enqueue_dma source(%dma_start3A_29 : memref<128xi32, #tpu.memory_space<hbm>>) target(%dma_start3A_26 : memref<128xi32, #tpu.memory_space<vmem>>) target_semaphore(%arg11 : memref<!tpu.dma_semaphore, #tpu.memory_space<semaphore_mem>>)
    %add3A_30 = arith.constant 2 : i32
    %add3A_31 = arith.addi %mul3A_4, %add3A_30 : i32
    %dma_start3A_32 = arith.constant 128 : i32
    %dma_start3A_33 = tpu.memref_slice %arg6[%dma_start3A_32] : memref<512xi32, #tpu.memory_space<vmem>> -> memref<128xi32, #tpu.memory_space<vmem>>
    %dma_start3A_34 = arith.constant 0 : i32
    %dma_start3A_35 = tpu.memref_slice %arg2[%add3A_31, %dma_start3A_34] : memref<256x128xi32, #tpu.memory_space<hbm>> -> memref<1x128xi32, #tpu.memory_space<hbm>>
    %dma_start3A_36 = tpu.memref_squeeze %dma_start3A_35 : memref<1x128xi32, #tpu.memory_space<hbm>> -> memref<128xi32, #tpu.memory_space<hbm>>
    %dma_start3A_37 = arith.constant 128 : i32
    %dma_start3A_38 = tpu.memref_slice %arg6[%dma_start3A_37] : memref<512xi32, #tpu.memory_space<vmem>> -> memref<128xi32, #tpu.memory_space<vmem>>
    %dma_start3A_39 = arith.constant 0 : i32
    %dma_start3A_40 = tpu.memref_slice %arg2[%add3A_31, %dma_start3A_39] : memref<256x128xi32, #tpu.memory_space<hbm>> -> memref<1x128xi32, #tpu.memory_space<hbm>>
    %dma_start3A_41 = tpu.memref_squeeze %dma_start3A_40 : memref<1x128xi32, #tpu.memory_space<hbm>> -> memref<128xi32, #tpu.memory_space<hbm>>
    tpu.enqueue_dma source(%dma_start3A_41 : memref<128xi32, #tpu.memory_space<hbm>>) target(%dma_start3A_38 : memref<128xi32, #tpu.memory_space<vmem>>) target_semaphore(%arg10 : memref<!tpu.dma_semaphore, #tpu.memory_space<semaphore_mem>>)
    %add3A_42 = arith.constant 2 : i32
    %add3A_43 = arith.addi %mul3A_4, %add3A_42 : i32
    %add3A_44 = arith.constant 1 : i32
    %add3A_45 = arith.addi %add3A_43, %add3A_44 : i32
    %dma_start3A_46 = arith.constant 128 : i32
    %dma_start3A_47 = tpu.memref_slice %arg7[%dma_start3A_46] : memref<512xi32, #tpu.memory_space<vmem>> -> memref<128xi32, #tpu.memory_space<vmem>>
    %dma_start3A_48 = arith.constant 0 : i32
    %dma_start3A_49 = tpu.memref_slice %arg2[%add3A_45, %dma_start3A_48] : memref<256x128xi32, #tpu.memory_space<hbm>> -> memref<1x128xi32, #tpu.memory_space<hbm>>
    %dma_start3A_50 = tpu.memref_squeeze %dma_start3A_49 : memref<1x128xi32, #tpu.memory_space<hbm>> -> memref<128xi32, #tpu.memory_space<hbm>>
    %dma_start3A_51 = arith.constant 128 : i32
    %dma_start3A_52 = tpu.memref_slice %arg7[%dma_start3A_51] : memref<512xi32, #tpu.memory_space<vmem>> -> memref<128xi32, #tpu.memory_space<vmem>>
    %dma_start3A_53 = arith.constant 0 : i32
    %dma_start3A_54 = tpu.memref_slice %arg2[%add3A_45, %dma_start3A_53] : memref<256x128xi32, #tpu.memory_space<hbm>> -> memref<1x128xi32, #tpu.memory_space<hbm>>
    %dma_start3A_55 = tpu.memref_squeeze %dma_start3A_54 : memref<1x128xi32, #tpu.memory_space<hbm>> -> memref<128xi32, #tpu.memory_space<hbm>>
    tpu.enqueue_dma source(%dma_start3A_55 : memref<128xi32, #tpu.memory_space<hbm>>) target(%dma_start3A_52 : memref<128xi32, #tpu.memory_space<vmem>>) target_semaphore(%arg11 : memref<!tpu.dma_semaphore, #tpu.memory_space<semaphore_mem>>)
    %add3A_56 = arith.constant 4 : i32
    %add3A_57 = arith.addi %mul3A_4, %add3A_56 : i32
    %dma_start3A_58 = arith.constant 256 : i32
    %dma_start3A_59 = tpu.memref_slice %arg6[%dma_start3A_58] : memref<512xi32, #tpu.memory_space<vmem>> -> memref<128xi32, #tpu.memory_space<vmem>>
    %dma_start3A_60 = arith.constant 0 : i32
    %dma_start3A_61 = tpu.memref_slice %arg2[%add3A_57, %dma_start3A_60] : memref<256x128xi32, #tpu.memory_space<hbm>> -> memref<1x128xi32, #tpu.memory_space<hbm>>
    %dma_start3A_62 = tpu.memref_squeeze %dma_start3A_61 : memref<1x128xi32, #tpu.memory_space<hbm>> -> memref<128xi32, #tpu.memory_space<hbm>>
    %dma_start3A_63 = arith.constant 256 : i32
    %dma_start3A_64 = tpu.memref_slice %arg6[%dma_start3A_63] : memref<512xi32, #tpu.memory_space<vmem>> -> memref<128xi32, #tpu.memory_space<vmem>>
    %dma_start3A_65 = arith.constant 0 : i32
    %dma_start3A_66 = tpu.memref_slice %arg2[%add3A_57, %dma_start3A_65] : memref<256x128xi32, #tpu.memory_space<hbm>> -> memref<1x128xi32, #tpu.memory_space<hbm>>
    %dma_start3A_67 = tpu.memref_squeeze %dma_start3A_66 : memref<1x128xi32, #tpu.memory_space<hbm>> -> memref<128xi32, #tpu.memory_space<hbm>>
    tpu.enqueue_dma source(%dma_start3A_67 : memref<128xi32, #tpu.memory_space<hbm>>) target(%dma_start3A_64 : memref<128xi32, #tpu.memory_space<vmem>>) target_semaphore(%arg10 : memref<!tpu.dma_semaphore, #tpu.memory_space<semaphore_mem>>)
    %add3A_68 = arith.constant 4 : i32
    %add3A_69 = arith.addi %mul3A_4, %add3A_68 : i32
    %add3A_70 = arith.constant 1 : i32
    %add3A_71 = arith.addi %add3A_69, %add3A_70 : i32
    %dma_start3A_72 = arith.constant 256 : i32
    %dma_start3A_73 = tpu.memref_slice %arg7[%dma_start3A_72] : memref<512xi32, #tpu.memory_space<vmem>> -> memref<128xi32, #tpu.memory_space<vmem>>
    %dma_start3A_74 = arith.constant 0 : i32
    %dma_start3A_75 = tpu.memref_slice %arg2[%add3A_71, %dma_start3A_74] : memref<256x128xi32, #tpu.memory_space<hbm>> -> memref<1x128xi32, #tpu.memory_space<hbm>>
    %dma_start3A_76 = tpu.memref_squeeze %dma_start3A_75 : memref<1x128xi32, #tpu.memory_space<hbm>> -> memref<128xi32, #tpu.memory_space<hbm>>
    %dma_start3A_77 = arith.constant 256 : i32
    %dma_start3A_78 = tpu.memref_slice %arg7[%dma_start3A_77] : memref<512xi32, #tpu.memory_space<vmem>> -> memref<128xi32, #tpu.memory_space<vmem>>
    %dma_start3A_79 = arith.constant 0 : i32
    %dma_start3A_80 = tpu.memref_slice %arg2[%add3A_71, %dma_start3A_79] : memref<256x128xi32, #tpu.memory_space<hbm>> -> memref<1x128xi32, #tpu.memory_space<hbm>>
    %dma_start3A_81 = tpu.memref_squeeze %dma_start3A_80 : memref<1x128xi32, #tpu.memory_space<hbm>> -> memref<128xi32, #tpu.memory_space<hbm>>
    tpu.enqueue_dma source(%dma_start3A_81 : memref<128xi32, #tpu.memory_space<hbm>>) target(%dma_start3A_78 : memref<128xi32, #tpu.memory_space<vmem>>) target_semaphore(%arg11 : memref<!tpu.dma_semaphore, #tpu.memory_space<semaphore_mem>>)
    %add3A_82 = arith.constant 6 : i32
    %add3A_83 = arith.addi %mul3A_4, %add3A_82 : i32
    %dma_start3A_84 = arith.constant 384 : i32
    %dma_start3A_85 = tpu.memref_slice %arg6[%dma_start3A_84] : memref<512xi32, #tpu.memory_space<vmem>> -> memref<128xi32, #tpu.memory_space<vmem>>
    %dma_start3A_86 = arith.constant 0 : i32
    %dma_start3A_87 = tpu.memref_slice %arg2[%add3A_83, %dma_start3A_86] : memref<256x128xi32, #tpu.memory_space<hbm>> -> memref<1x128xi32, #tpu.memory_space<hbm>>
    %dma_start3A_88 = tpu.memref_squeeze %dma_start3A_87 : memref<1x128xi32, #tpu.memory_space<hbm>> -> memref<128xi32, #tpu.memory_space<hbm>>
    %dma_start3A_89 = arith.constant 384 : i32
    %dma_start3A_90 = tpu.memref_slice %arg6[%dma_start3A_89] : memref<512xi32, #tpu.memory_space<vmem>> -> memref<128xi32, #tpu.memory_space<vmem>>
    %dma_start3A_91 = arith.constant 0 : i32
    %dma_start3A_92 = tpu.memref_slice %arg2[%add3A_83, %dma_start3A_91] : memref<256x128xi32, #tpu.memory_space<hbm>> -> memref<1x128xi32, #tpu.memory_space<hbm>>
    %dma_start3A_93 = tpu.memref_squeeze %dma_start3A_92 : memref<1x128xi32, #tpu.memory_space<hbm>> -> memref<128xi32, #tpu.memory_space<hbm>>
    tpu.enqueue_dma source(%dma_start3A_93 : memref<128xi32, #tpu.memory_space<hbm>>) target(%dma_start3A_90 : memref<128xi32, #tpu.memory_space<vmem>>) target_semaphore(%arg10 : memref<!tpu.dma_semaphore, #tpu.memory_space<semaphore_mem>>)
    %add3A_94 = arith.constant 6 : i32
    %add3A_95 = arith.addi %mul3A_4, %add3A_94 : i32
    %add3A_96 = arith.constant 1 : i32
    %add3A_97 = arith.addi %add3A_95, %add3A_96 : i32
    %dma_start3A_98 = arith.constant 384 : i32
    %dma_start3A_99 = tpu.memref_slice %arg7[%dma_start3A_98] : memref<512xi32, #tpu.memory_space<vmem>> -> memref<128xi32, #tpu.memory_space<vmem>>
    %dma_start3A_100 = arith.constant 0 : i32
    %dma_start3A_101 = tpu.memref_slice %arg2[%add3A_97, %dma_start3A_100] : memref<256x128xi32, #tpu.memory_space<hbm>> -> memref<1x128xi32, #tpu.memory_space<hbm>>
    %dma_start3A_102 = tpu.memref_squeeze %dma_start3A_101 : memref<1x128xi32, #tpu.memory_space<hbm>> -> memref<128xi32, #tpu.memory_space<hbm>>
    %dma_start3A_103 = arith.constant 384 : i32
    %dma_start3A_104 = tpu.memref_slice %arg7[%dma_start3A_103] : memref<512xi32, #tpu.memory_space<vmem>> -> memref<128xi32, #tpu.memory_space<vmem>>
    %dma_start3A_105 = arith.constant 0 : i32
    %dma_start3A_106 = tpu.memref_slice %arg2[%add3A_97, %dma_start3A_105] : memref<256x128xi32, #tpu.memory_space<hbm>> -> memref<1x128xi32, #tpu.memory_space<hbm>>
    %dma_start3A_107 = tpu.memref_squeeze %dma_start3A_106 : memref<1x128xi32, #tpu.memory_space<hbm>> -> memref<128xi32, #tpu.memory_space<hbm>>
    tpu.enqueue_dma source(%dma_start3A_107 : memref<128xi32, #tpu.memory_space<hbm>>) target(%dma_start3A_104 : memref<128xi32, #tpu.memory_space<vmem>>) target_semaphore(%arg11 : memref<!tpu.dma_semaphore, #tpu.memory_space<semaphore_mem>>)
    %dma_wait3A = arith.constant 0 : i32
    %dma_wait3A_108 = tpu.memref_slice %arg6[%dma_wait3A] : memref<512xi32, #tpu.memory_space<vmem>> -> memref<128xi32, #tpu.memory_space<vmem>>
    %dma_wait3A_109 = arith.constant 0 : i32
    %dma_wait3A_110 = tpu.memref_slice %arg2[%add3A_6, %dma_wait3A_109] : memref<256x128xi32, #tpu.memory_space<hbm>> -> memref<1x128xi32, #tpu.memory_space<hbm>>
    %dma_wait3A_111 = tpu.memref_squeeze %dma_wait3A_110 : memref<1x128xi32, #tpu.memory_space<hbm>> -> memref<128xi32, #tpu.memory_space<hbm>>
    %dma_wait3A_112 = arith.constant 0 : i32
    %dma_wait3A_113 = tpu.memref_slice %arg6[%dma_wait3A_112] : memref<512xi32, #tpu.memory_space<vmem>> -> memref<128xi32, #tpu.memory_space<vmem>>
    %dma_wait3A_114 = arith.constant 0 : i32
    %dma_wait3A_115 = tpu.memref_slice %arg2[%add3A_6, %dma_wait3A_114] : memref<256x128xi32, #tpu.memory_space<hbm>> -> memref<1x128xi32, #tpu.memory_space<hbm>>
    %dma_wait3A_116 = tpu.memref_squeeze %dma_wait3A_115 : memref<1x128xi32, #tpu.memory_space<hbm>> -> memref<128xi32, #tpu.memory_space<hbm>>
    tpu.wait_dma2 semaphore(%arg10 : memref<!tpu.dma_semaphore, #tpu.memory_space<semaphore_mem>>) src(%dma_wait3A_116 : memref<128xi32, #tpu.memory_space<hbm>>) dst(%dma_wait3A_113 : memref<128xi32, #tpu.memory_space<vmem>>)
    %dma_wait3A_117 = arith.constant 128 : i32
    %dma_wait3A_118 = tpu.memref_slice %arg6[%dma_wait3A_117] : memref<512xi32, #tpu.memory_space<vmem>> -> memref<128xi32, #tpu.memory_space<vmem>>
    %dma_wait3A_119 = arith.constant 0 : i32
    %dma_wait3A_120 = tpu.memref_slice %arg2[%add3A_31, %dma_wait3A_119] : memref<256x128xi32, #tpu.memory_space<hbm>> -> memref<1x128xi32, #tpu.memory_space<hbm>>
    %dma_wait3A_121 = tpu.memref_squeeze %dma_wait3A_120 : memref<1x128xi32, #tpu.memory_space<hbm>> -> memref<128xi32, #tpu.memory_space<hbm>>
    %dma_wait3A_122 = arith.constant 128 : i32
    %dma_wait3A_123 = tpu.memref_slice %arg6[%dma_wait3A_122] : memref<512xi32, #tpu.memory_space<vmem>> -> memref<128xi32, #tpu.memory_space<vmem>>
    %dma_wait3A_124 = arith.constant 0 : i32
    %dma_wait3A_125 = tpu.memref_slice %arg2[%add3A_31, %dma_wait3A_124] : memref<256x128xi32, #tpu.memory_space<hbm>> -> memref<1x128xi32, #tpu.memory_space<hbm>>
    %dma_wait3A_126 = tpu.memref_squeeze %dma_wait3A_125 : memref<1x128xi32, #tpu.memory_space<hbm>> -> memref<128xi32, #tpu.memory_space<hbm>>
    tpu.wait_dma2 semaphore(%arg10 : memref<!tpu.dma_semaphore, #tpu.memory_space<semaphore_mem>>) src(%dma_wait3A_126 : memref<128xi32, #tpu.memory_space<hbm>>) dst(%dma_wait3A_123 : memref<128xi32, #tpu.memory_space<vmem>>)
    %dma_wait3A_127 = arith.constant 256 : i32
    %dma_wait3A_128 = tpu.memref_slice %arg6[%dma_wait3A_127] : memref<512xi32, #tpu.memory_space<vmem>> -> memref<128xi32, #tpu.memory_space<vmem>>
    %dma_wait3A_129 = arith.constant 0 : i32
    %dma_wait3A_130 = tpu.memref_slice %arg2[%add3A_57, %dma_wait3A_129] : memref<256x128xi32, #tpu.memory_space<hbm>> -> memref<1x128xi32, #tpu.memory_space<hbm>>
    %dma_wait3A_131 = tpu.memref_squeeze %dma_wait3A_130 : memref<1x128xi32, #tpu.memory_space<hbm>> -> memref<128xi32, #tpu.memory_space<hbm>>
    %dma_wait3A_132 = arith.constant 256 : i32
    %dma_wait3A_133 = tpu.memref_slice %arg6[%dma_wait3A_132] : memref<512xi32, #tpu.memory_space<vmem>> -> memref<128xi32, #tpu.memory_space<vmem>>
    %dma_wait3A_134 = arith.constant 0 : i32
    %dma_wait3A_135 = tpu.memref_slice %arg2[%add3A_57, %dma_wait3A_134] : memref<256x128xi32, #tpu.memory_space<hbm>> -> memref<1x128xi32, #tpu.memory_space<hbm>>
    %dma_wait3A_136 = tpu.memref_squeeze %dma_wait3A_135 : memref<1x128xi32, #tpu.memory_space<hbm>> -> memref<128xi32, #tpu.memory_space<hbm>>
    tpu.wait_dma2 semaphore(%arg10 : memref<!tpu.dma_semaphore, #tpu.memory_space<semaphore_mem>>) src(%dma_wait3A_136 : memref<128xi32, #tpu.memory_space<hbm>>) dst(%dma_wait3A_133 : memref<128xi32, #tpu.memory_space<vmem>>)
    %dma_wait3A_137 = arith.constant 384 : i32
    %dma_wait3A_138 = tpu.memref_slice %arg6[%dma_wait3A_137] : memref<512xi32, #tpu.memory_space<vmem>> -> memref<128xi32, #tpu.memory_space<vmem>>
    %dma_wait3A_139 = arith.constant 0 : i32
    %dma_wait3A_140 = tpu.memref_slice %arg2[%add3A_83, %dma_wait3A_139] : memref<256x128xi32, #tpu.memory_space<hbm>> -> memref<1x128xi32, #tpu.memory_space<hbm>>
    %dma_wait3A_141 = tpu.memref_squeeze %dma_wait3A_140 : memref<1x128xi32, #tpu.memory_space<hbm>> -> memref<128xi32, #tpu.memory_space<hbm>>
    %dma_wait3A_142 = arith.constant 384 : i32
    %dma_wait3A_143 = tpu.memref_slice %arg6[%dma_wait3A_142] : memref<512xi32, #tpu.memory_space<vmem>> -> memref<128xi32, #tpu.memory_space<vmem>>
    %dma_wait3A_144 = arith.constant 0 : i32
    %dma_wait3A_145 = tpu.memref_slice %arg2[%add3A_83, %dma_wait3A_144] : memref<256x128xi32, #tpu.memory_space<hbm>> -> memref<1x128xi32, #tpu.memory_space<hbm>>
    %dma_wait3A_146 = tpu.memref_squeeze %dma_wait3A_145 : memref<1x128xi32, #tpu.memory_space<hbm>> -> memref<128xi32, #tpu.memory_space<hbm>>
    tpu.wait_dma2 semaphore(%arg10 : memref<!tpu.dma_semaphore, #tpu.memory_space<semaphore_mem>>) src(%dma_wait3A_146 : memref<128xi32, #tpu.memory_space<hbm>>) dst(%dma_wait3A_143 : memref<128xi32, #tpu.memory_space<vmem>>)
    %dma_start3A_147 = arith.constant 0 : i32
    %dma_start3A_148 = arith.constant 0 : i32
    %dma_start3A_149 = tpu.memref_slice %arg3[%dma_start3A_147, %dma_start3A_148] : memref<1x1000000xf32, #tpu.memory_space<hbm>> -> memref<1x1000000xf32, #tpu.memory_space<hbm>>
    %dma_start3A_150 = tpu.memref_squeeze %dma_start3A_149 : memref<1x1000000xf32, #tpu.memory_space<hbm>> -> memref<1000000xf32, #tpu.memory_space<hbm>>
    %dma_start3A_151 = arith.constant 0 : i32
    %dma_start3A_152 = tpu.memref_slice %dma_start3A_150[%dma_start3A_151] : memref<1000000xf32, #tpu.memory_space<hbm>> -> memref<1000000xf32, #tpu.memory_space<hbm>>
    tpu.enqueue_indirect_dma source(%dma_start3A_152 : memref<1000000xf32, #tpu.memory_space<hbm>>) target(%arg8 : memref<512xf32, #tpu.memory_space<vmem>>) offsets(%arg6 : memref<512xi32, #tpu.memory_space<vmem>>) semaphore(%arg12 : memref<!tpu.dma_semaphore, #tpu.memory_space<semaphore_mem>>)
    %dma_wait3A_153 = arith.constant 0 : i32
    %dma_wait3A_154 = tpu.memref_slice %arg7[%dma_wait3A_153] : memref<512xi32, #tpu.memory_space<vmem>> -> memref<128xi32, #tpu.memory_space<vmem>>
    %dma_wait3A_155 = arith.constant 0 : i32
    %dma_wait3A_156 = tpu.memref_slice %arg2[%add3A_19, %dma_wait3A_155] : memref<256x128xi32, #tpu.memory_space<hbm>> -> memref<1x128xi32, #tpu.memory_space<hbm>>
    %dma_wait3A_157 = tpu.memref_squeeze %dma_wait3A_156 : memref<1x128xi32, #tpu.memory_space<hbm>> -> memref<128xi32, #tpu.memory_space<hbm>>
    %dma_wait3A_158 = arith.constant 0 : i32
    %dma_wait3A_159 = tpu.memref_slice %arg7[%dma_wait3A_158] : memref<512xi32, #tpu.memory_space<vmem>> -> memref<128xi32, #tpu.memory_space<vmem>>
    %dma_wait3A_160 = arith.constant 0 : i32
    %dma_wait3A_161 = tpu.memref_slice %arg2[%add3A_19, %dma_wait3A_160] : memref<256x128xi32, #tpu.memory_space<hbm>> -> memref<1x128xi32, #tpu.memory_space<hbm>>
    %dma_wait3A_162 = tpu.memref_squeeze %dma_wait3A_161 : memref<1x128xi32, #tpu.memory_space<hbm>> -> memref<128xi32, #tpu.memory_space<hbm>>
    tpu.wait_dma2 semaphore(%arg11 : memref<!tpu.dma_semaphore, #tpu.memory_space<semaphore_mem>>) src(%dma_wait3A_162 : memref<128xi32, #tpu.memory_space<hbm>>) dst(%dma_wait3A_159 : memref<128xi32, #tpu.memory_space<vmem>>)
    %dma_wait3A_163 = arith.constant 128 : i32
    %dma_wait3A_164 = tpu.memref_slice %arg7[%dma_wait3A_163] : memref<512xi32, #tpu.memory_space<vmem>> -> memref<128xi32, #tpu.memory_space<vmem>>
    %dma_wait3A_165 = arith.constant 0 : i32
    %dma_wait3A_166 = tpu.memref_slice %arg2[%add3A_45, %dma_wait3A_165] : memref<256x128xi32, #tpu.memory_space<hbm>> -> memref<1x128xi32, #tpu.memory_space<hbm>>
    %dma_wait3A_167 = tpu.memref_squeeze %dma_wait3A_166 : memref<1x128xi32, #tpu.memory_space<hbm>> -> memref<128xi32, #tpu.memory_space<hbm>>
    %dma_wait3A_168 = arith.constant 128 : i32
    %dma_wait3A_169 = tpu.memref_slice %arg7[%dma_wait3A_168] : memref<512xi32, #tpu.memory_space<vmem>> -> memref<128xi32, #tpu.memory_space<vmem>>
    %dma_wait3A_170 = arith.constant 0 : i32
    %dma_wait3A_171 = tpu.memref_slice %arg2[%add3A_45, %dma_wait3A_170] : memref<256x128xi32, #tpu.memory_space<hbm>> -> memref<1x128xi32, #tpu.memory_space<hbm>>
    %dma_wait3A_172 = tpu.memref_squeeze %dma_wait3A_171 : memref<1x128xi32, #tpu.memory_space<hbm>> -> memref<128xi32, #tpu.memory_space<hbm>>
    tpu.wait_dma2 semaphore(%arg11 : memref<!tpu.dma_semaphore, #tpu.memory_space<semaphore_mem>>) src(%dma_wait3A_172 : memref<128xi32, #tpu.memory_space<hbm>>) dst(%dma_wait3A_169 : memref<128xi32, #tpu.memory_space<vmem>>)
    %dma_wait3A_173 = arith.constant 256 : i32
    %dma_wait3A_174 = tpu.memref_slice %arg7[%dma_wait3A_173] : memref<512xi32, #tpu.memory_space<vmem>> -> memref<128xi32, #tpu.memory_space<vmem>>
    %dma_wait3A_175 = arith.constant 0 : i32
    %dma_wait3A_176 = tpu.memref_slice %arg2[%add3A_71, %dma_wait3A_175] : memref<256x128xi32, #tpu.memory_space<hbm>> -> memref<1x128xi32, #tpu.memory_space<hbm>>
    %dma_wait3A_177 = tpu.memref_squeeze %dma_wait3A_176 : memref<1x128xi32, #tpu.memory_space<hbm>> -> memref<128xi32, #tpu.memory_space<hbm>>
    %dma_wait3A_178 = arith.constant 256 : i32
    %dma_wait3A_179 = tpu.memref_slice %arg7[%dma_wait3A_178] : memref<512xi32, #tpu.memory_space<vmem>> -> memref<128xi32, #tpu.memory_space<vmem>>
    %dma_wait3A_180 = arith.constant 0 : i32
    %dma_wait3A_181 = tpu.memref_slice %arg2[%add3A_71, %dma_wait3A_180] : memref<256x128xi32, #tpu.memory_space<hbm>> -> memref<1x128xi32, #tpu.memory_space<hbm>>
    %dma_wait3A_182 = tpu.memref_squeeze %dma_wait3A_181 : memref<1x128xi32, #tpu.memory_space<hbm>> -> memref<128xi32, #tpu.memory_space<hbm>>
    tpu.wait_dma2 semaphore(%arg11 : memref<!tpu.dma_semaphore, #tpu.memory_space<semaphore_mem>>) src(%dma_wait3A_182 : memref<128xi32, #tpu.memory_space<hbm>>) dst(%dma_wait3A_179 : memref<128xi32, #tpu.memory_space<vmem>>)
    %dma_wait3A_183 = arith.constant 384 : i32
    %dma_wait3A_184 = tpu.memref_slice %arg7[%dma_wait3A_183] : memref<512xi32, #tpu.memory_space<vmem>> -> memref<128xi32, #tpu.memory_space<vmem>>
    %dma_wait3A_185 = arith.constant 0 : i32
    %dma_wait3A_186 = tpu.memref_slice %arg2[%add3A_97, %dma_wait3A_185] : memref<256x128xi32, #tpu.memory_space<hbm>> -> memref<1x128xi32, #tpu.memory_space<hbm>>
    %dma_wait3A_187 = tpu.memref_squeeze %dma_wait3A_186 : memref<1x128xi32, #tpu.memory_space<hbm>> -> memref<128xi32, #tpu.memory_space<hbm>>
    %dma_wait3A_188 = arith.constant 384 : i32
    %dma_wait3A_189 = tpu.memref_slice %arg7[%dma_wait3A_188] : memref<512xi32, #tpu.memory_space<vmem>> -> memref<128xi32, #tpu.memory_space<vmem>>
    %dma_wait3A_190 = arith.constant 0 : i32
    %dma_wait3A_191 = tpu.memref_slice %arg2[%add3A_97, %dma_wait3A_190] : memref<256x128xi32, #tpu.memory_space<hbm>> -> memref<1x128xi32, #tpu.memory_space<hbm>>
    %dma_wait3A_192 = tpu.memref_squeeze %dma_wait3A_191 : memref<1x128xi32, #tpu.memory_space<hbm>> -> memref<128xi32, #tpu.memory_space<hbm>>
    tpu.wait_dma2 semaphore(%arg11 : memref<!tpu.dma_semaphore, #tpu.memory_space<semaphore_mem>>) src(%dma_wait3A_192 : memref<128xi32, #tpu.memory_space<hbm>>) dst(%dma_wait3A_189 : memref<128xi32, #tpu.memory_space<vmem>>)
    %dma_start3A_193 = arith.constant 0 : i32
    %dma_start3A_194 = arith.constant 0 : i32
    %dma_start3A_195 = tpu.memref_slice %arg4[%dma_start3A_193, %dma_start3A_194] : memref<1x1000000xf32, #tpu.memory_space<hbm>> -> memref<1x1000000xf32, #tpu.memory_space<hbm>>
    %dma_start3A_196 = tpu.memref_squeeze %dma_start3A_195 : memref<1x1000000xf32, #tpu.memory_space<hbm>> -> memref<1000000xf32, #tpu.memory_space<hbm>>
    %dma_start3A_197 = arith.constant 0 : i32
    %dma_start3A_198 = tpu.memref_slice %dma_start3A_196[%dma_start3A_197] : memref<1000000xf32, #tpu.memory_space<hbm>> -> memref<1000000xf32, #tpu.memory_space<hbm>>
    tpu.enqueue_indirect_dma source(%dma_start3A_198 : memref<1000000xf32, #tpu.memory_space<hbm>>) target(%arg9 : memref<512xf32, #tpu.memory_space<vmem>>) offsets(%arg7 : memref<512xi32, #tpu.memory_space<vmem>>) semaphore(%arg12 : memref<!tpu.dma_semaphore, #tpu.memory_space<semaphore_mem>>)
    %dma_wait3A_199 = arith.constant 0 : i32
    %dma_wait3A_200 = arith.constant 0 : i32
    %dma_wait3A_201 = tpu.memref_slice %arg3[%dma_wait3A_199, %dma_wait3A_200] : memref<1x1000000xf32, #tpu.memory_space<hbm>> -> memref<1x1000000xf32, #tpu.memory_space<hbm>>
    %dma_wait3A_202 = tpu.memref_squeeze %dma_wait3A_201 : memref<1x1000000xf32, #tpu.memory_space<hbm>> -> memref<1000000xf32, #tpu.memory_space<hbm>>
    %dma_wait3A_203 = arith.constant 0 : i32
    %dma_wait3A_204 = tpu.memref_slice %dma_wait3A_202[%dma_wait3A_203] : memref<1000000xf32, #tpu.memory_space<hbm>> -> memref<1000000xf32, #tpu.memory_space<hbm>>
    tpu.wait_indirect_dma semaphore(%arg12 : memref<!tpu.dma_semaphore, #tpu.memory_space<semaphore_mem>>) src(%dma_wait3A_204 : memref<1000000xf32, #tpu.memory_space<hbm>>) dst(%arg8 : memref<512xf32, #tpu.memory_space<vmem>>)
    %dma_wait3A_205 = arith.constant 0 : i32
    %dma_wait3A_206 = arith.constant 0 : i32
    %dma_wait3A_207 = tpu.memref_slice %arg4[%dma_wait3A_205, %dma_wait3A_206] : memref<1x1000000xf32, #tpu.memory_space<hbm>> -> memref<1x1000000xf32, #tpu.memory_space<hbm>>
    %dma_wait3A_208 = tpu.memref_squeeze %dma_wait3A_207 : memref<1x1000000xf32, #tpu.memory_space<hbm>> -> memref<1000000xf32, #tpu.memory_space<hbm>>
    %dma_wait3A_209 = arith.constant 0 : i32
    %dma_wait3A_210 = tpu.memref_slice %dma_wait3A_208[%dma_wait3A_209] : memref<1000000xf32, #tpu.memory_space<hbm>> -> memref<1000000xf32, #tpu.memory_space<hbm>>
    tpu.wait_indirect_dma semaphore(%arg12 : memref<!tpu.dma_semaphore, #tpu.memory_space<semaphore_mem>>) src(%dma_wait3A_210 : memref<1000000xf32, #tpu.memory_space<hbm>>) dst(%arg9 : memref<512xf32, #tpu.memory_space<vmem>>)
    %get3A = arith.constant 0 : index
    %get3A_211 = tpu.vector_load %arg8[%get3A] {strides = array<i32>} : memref<512xf32, #tpu.memory_space<vmem>>, vector<16xf32>,
    %get3A_212 = vector.shape_cast %get3A_211 : vector<16xf32> to vector<16xf32>
    %get3A_213 = arith.constant 0 : index
    %get3A_214 = tpu.vector_load %arg9[%get3A_213] {strides = array<i32>} : memref<512xf32, #tpu.memory_space<vmem>>, vector<16xf32>,
    %get3A_215 = vector.shape_cast %get3A_214 : vector<16xf32> to vector<16xf32>
    %mul3A_216 = arith.mulf %get3A_212, %get3A_215 : vector<16xf32>
    %swap3A = arith.constant 0 : index
    %swap3A_217 = tpu.vector_load %arg8[%swap3A] {strides = array<i32>} : memref<512xf32, #tpu.memory_space<vmem>>, vector<16xf32>,
    %swap3A_218 = vector.shape_cast %swap3A_217 : vector<16xf32> to vector<16xf32>
    %swap3A_219 = vector.shape_cast %mul3A_216 : vector<16xf32> to vector<16xf32>
    tpu.vector_store %arg8[%swap3A], %swap3A_219 {strides = array<i32>} : memref<512xf32, #tpu.memory_space<vmem>>, vector<16xf32>,
    %get3A_220 = arith.constant 16 : index
    %get3A_221 = tpu.vector_load %arg8[%get3A_220] {strides = array<i32>} : memref<512xf32, #tpu.memory_space<vmem>>, vector<16xf32>,
    %get3A_222 = vector.shape_cast %get3A_221 : vector<16xf32> to vector<16xf32>
    %get3A_223 = arith.constant 16 : index
    %get3A_224 = tpu.vector_load %arg9[%get3A_223] {strides = array<i32>} : memref<512xf32, #tpu.memory_space<vmem>>, vector<16xf32>,
    %get3A_225 = vector.shape_cast %get3A_224 : vector<16xf32> to vector<16xf32>
    %mul3A_226 = arith.mulf %get3A_222, %get3A_225 : vector<16xf32>
    %swap3A_227 = arith.constant 16 : index
    %swap3A_228 = tpu.vector_load %arg8[%swap3A_227] {strides = array<i32>} : memref<512xf32, #tpu.memory_space<vmem>>, vector<16xf32>,
    %swap3A_229 = vector.shape_cast %swap3A_228 : vector<16xf32> to vector<16xf32>
    %swap3A_230 = vector.shape_cast %mul3A_226 : vector<16xf32> to vector<16xf32>
    tpu.vector_store %arg8[%swap3A_227], %swap3A_230 {strides = array<i32>} : memref<512xf32, #tpu.memory_space<vmem>>, vector<16xf32>,
    %get3A_231 = arith.constant 32 : index
    %get3A_232 = tpu.vector_load %arg8[%get3A_231] {strides = array<i32>} : memref<512xf32, #tpu.memory_space<vmem>>, vector<16xf32>,
    %get3A_233 = vector.shape_cast %get3A_232 : vector<16xf32> to vector<16xf32>
    %get3A_234 = arith.constant 32 : index
    %get3A_235 = tpu.vector_load %arg9[%get3A_234] {strides = array<i32>} : memref<512xf32, #tpu.memory_space<vmem>>, vector<16xf32>,
    %get3A_236 = vector.shape_cast %get3A_235 : vector<16xf32> to vector<16xf32>
    %mul3A_237 = arith.mulf %get3A_233, %get3A_236 : vector<16xf32>
    %swap3A_238 = arith.constant 32 : index
    %swap3A_239 = tpu.vector_load %arg8[%swap3A_238] {strides = array<i32>} : memref<512xf32, #tpu.memory_space<vmem>>, vector<16xf32>,
    %swap3A_240 = vector.shape_cast %swap3A_239 : vector<16xf32> to vector<16xf32>
    %swap3A_241 = vector.shape_cast %mul3A_237 : vector<16xf32> to vector<16xf32>
    tpu.vector_store %arg8[%swap3A_238], %swap3A_241 {strides = array<i32>} : memref<512xf32, #tpu.memory_space<vmem>>, vector<16xf32>,
    %get3A_242 = arith.constant 48 : index
    %get3A_243 = tpu.vector_load %arg8[%get3A_242] {strides = array<i32>} : memref<512xf32, #tpu.memory_space<vmem>>, vector<16xf32>,
    %get3A_244 = vector.shape_cast %get3A_243 : vector<16xf32> to vector<16xf32>
    %get3A_245 = arith.constant 48 : index
    %get3A_246 = tpu.vector_load %arg9[%get3A_245] {strides = array<i32>} : memref<512xf32, #tpu.memory_space<vmem>>, vector<16xf32>,
    %get3A_247 = vector.shape_cast %get3A_246 : vector<16xf32> to vector<16xf32>
    %mul3A_248 = arith.mulf %get3A_244, %get3A_247 : vector<16xf32>
    %swap3A_249 = arith.constant 48 : index
    %swap3A_250 = tpu.vector_load %arg8[%swap3A_249] {strides = array<i32>} : memref<512xf32, #tpu.memory_space<vmem>>, vector<16xf32>,
    %swap3A_251 = vector.shape_cast %swap3A_250 : vector<16xf32> to vector<16xf32>
    %swap3A_252 = vector.shape_cast %mul3A_248 : vector<16xf32> to vector<16xf32>
    tpu.vector_store %arg8[%swap3A_249], %swap3A_252 {strides = array<i32>} : memref<512xf32, #tpu.memory_space<vmem>>, vector<16xf32>,
    %get3A_253 = arith.constant 64 : index
    %get3A_254 = tpu.vector_load %arg8[%get3A_253] {strides = array<i32>} : memref<512xf32, #tpu.memory_space<vmem>>, vector<16xf32>,
    %get3A_255 = vector.shape_cast %get3A_254 : vector<16xf32> to vector<16xf32>
    %get3A_256 = arith.constant 64 : index
    %get3A_257 = tpu.vector_load %arg9[%get3A_256] {strides = array<i32>} : memref<512xf32, #tpu.memory_space<vmem>>, vector<16xf32>,
    %get3A_258 = vector.shape_cast %get3A_257 : vector<16xf32> to vector<16xf32>
    %mul3A_259 = arith.mulf %get3A_255, %get3A_258 : vector<16xf32>
    %swap3A_260 = arith.constant 64 : index
    %swap3A_261 = tpu.vector_load %arg8[%swap3A_260] {strides = array<i32>} : memref<512xf32, #tpu.memory_space<vmem>>, vector<16xf32>,
    %swap3A_262 = vector.shape_cast %swap3A_261 : vector<16xf32> to vector<16xf32>
    %swap3A_263 = vector.shape_cast %mul3A_259 : vector<16xf32> to vector<16xf32>
    tpu.vector_store %arg8[%swap3A_260], %swap3A_263 {strides = array<i32>} : memref<512xf32, #tpu.memory_space<vmem>>, vector<16xf32>,
    %get3A_264 = arith.constant 80 : index
    %get3A_265 = tpu.vector_load %arg8[%get3A_264] {strides = array<i32>} : memref<512xf32, #tpu.memory_space<vmem>>, vector<16xf32>,
    %get3A_266 = vector.shape_cast %get3A_265 : vector<16xf32> to vector<16xf32>
    %get3A_267 = arith.constant 80 : index
    %get3A_268 = tpu.vector_load %arg9[%get3A_267] {strides = array<i32>} : memref<512xf32, #tpu.memory_space<vmem>>, vector<16xf32>,
    %get3A_269 = vector.shape_cast %get3A_268 : vector<16xf32> to vector<16xf32>
    %mul3A_270 = arith.mulf %get3A_266, %get3A_269 : vector<16xf32>
    %swap3A_271 = arith.constant 80 : index
    %swap3A_272 = tpu.vector_load %arg8[%swap3A_271] {strides = array<i32>} : memref<512xf32, #tpu.memory_space<vmem>>, vector<16xf32>,
    %swap3A_273 = vector.shape_cast %swap3A_272 : vector<16xf32> to vector<16xf32>
    %swap3A_274 = vector.shape_cast %mul3A_270 : vector<16xf32> to vector<16xf32>
    tpu.vector_store %arg8[%swap3A_271], %swap3A_274 {strides = array<i32>} : memref<512xf32, #tpu.memory_space<vmem>>, vector<16xf32>,
    %get3A_275 = arith.constant 96 : index
    %get3A_276 = tpu.vector_load %arg8[%get3A_275] {strides = array<i32>} : memref<512xf32, #tpu.memory_space<vmem>>, vector<16xf32>,
    %get3A_277 = vector.shape_cast %get3A_276 : vector<16xf32> to vector<16xf32>
    %get3A_278 = arith.constant 96 : index
    %get3A_279 = tpu.vector_load %arg9[%get3A_278] {strides = array<i32>} : memref<512xf32, #tpu.memory_space<vmem>>, vector<16xf32>,
    %get3A_280 = vector.shape_cast %get3A_279 : vector<16xf32> to vector<16xf32>
    %mul3A_281 = arith.mulf %get3A_277, %get3A_280 : vector<16xf32>
    %swap3A_282 = arith.constant 96 : index
    %swap3A_283 = tpu.vector_load %arg8[%swap3A_282] {strides = array<i32>} : memref<512xf32, #tpu.memory_space<vmem>>, vector<16xf32>,
    %swap3A_284 = vector.shape_cast %swap3A_283 : vector<16xf32> to vector<16xf32>
    %swap3A_285 = vector.shape_cast %mul3A_281 : vector<16xf32> to vector<16xf32>
    tpu.vector_store %arg8[%swap3A_282], %swap3A_285 {strides = array<i32>} : memref<512xf32, #tpu.memory_space<vmem>>, vector<16xf32>,
    %get3A_286 = arith.constant 112 : index
    %get3A_287 = tpu.vector_load %arg8[%get3A_286] {strides = array<i32>} : memref<512xf32, #tpu.memory_space<vmem>>, vector<16xf32>,
    %get3A_288 = vector.shape_cast %get3A_287 : vector<16xf32> to vector<16xf32>
    %get3A_289 = arith.constant 112 : index
    %get3A_290 = tpu.vector_load %arg9[%get3A_289] {strides = array<i32>} : memref<512xf32, #tpu.memory_space<vmem>>, vector<16xf32>,
    %get3A_291 = vector.shape_cast %get3A_290 : vector<16xf32> to vector<16xf32>
    %mul3A_292 = arith.mulf %get3A_288, %get3A_291 : vector<16xf32>
    %swap3A_293 = arith.constant 112 : index
    %swap3A_294 = tpu.vector_load %arg8[%swap3A_293] {strides = array<i32>} : memref<512xf32, #tpu.memory_space<vmem>>, vector<16xf32>,
    %swap3A_295 = vector.shape_cast %swap3A_294 : vector<16xf32> to vector<16xf32>
    %swap3A_296 = vector.shape_cast %mul3A_292 : vector<16xf32> to vector<16xf32>
    tpu.vector_store %arg8[%swap3A_293], %swap3A_296 {strides = array<i32>} : memref<512xf32, #tpu.memory_space<vmem>>, vector<16xf32>,
    %get3A_297 = arith.constant 128 : index
    %get3A_298 = tpu.vector_load %arg8[%get3A_297] {strides = array<i32>} : memref<512xf32, #tpu.memory_space<vmem>>, vector<16xf32>,
    %get3A_299 = vector.shape_cast %get3A_298 : vector<16xf32> to vector<16xf32>
    %get3A_300 = arith.constant 128 : index
    %get3A_301 = tpu.vector_load %arg9[%get3A_300] {strides = array<i32>} : memref<512xf32, #tpu.memory_space<vmem>>, vector<16xf32>,
    %get3A_302 = vector.shape_cast %get3A_301 : vector<16xf32> to vector<16xf32>
    %mul3A_303 = arith.mulf %get3A_299, %get3A_302 : vector<16xf32>
    %swap3A_304 = arith.constant 128 : index
    %swap3A_305 = tpu.vector_load %arg8[%swap3A_304] {strides = array<i32>} : memref<512xf32, #tpu.memory_space<vmem>>, vector<16xf32>,
    %swap3A_306 = vector.shape_cast %swap3A_305 : vector<16xf32> to vector<16xf32>
    %swap3A_307 = vector.shape_cast %mul3A_303 : vector<16xf32> to vector<16xf32>
    tpu.vector_store %arg8[%swap3A_304], %swap3A_307 {strides = array<i32>} : memref<512xf32, #tpu.memory_space<vmem>>, vector<16xf32>,
    %get3A_308 = arith.constant 144 : index
    %get3A_309 = tpu.vector_load %arg8[%get3A_308] {strides = array<i32>} : memref<512xf32, #tpu.memory_space<vmem>>, vector<16xf32>,
    %get3A_310 = vector.shape_cast %get3A_309 : vector<16xf32> to vector<16xf32>
    %get3A_311 = arith.constant 144 : index
    %get3A_312 = tpu.vector_load %arg9[%get3A_311] {strides = array<i32>} : memref<512xf32, #tpu.memory_space<vmem>>, vector<16xf32>,
    %get3A_313 = vector.shape_cast %get3A_312 : vector<16xf32> to vector<16xf32>
    %mul3A_314 = arith.mulf %get3A_310, %get3A_313 : vector<16xf32>
    %swap3A_315 = arith.constant 144 : index
    %swap3A_316 = tpu.vector_load %arg8[%swap3A_315] {strides = array<i32>} : memref<512xf32, #tpu.memory_space<vmem>>, vector<16xf32>,
    %swap3A_317 = vector.shape_cast %swap3A_316 : vector<16xf32> to vector<16xf32>
    %swap3A_318 = vector.shape_cast %mul3A_314 : vector<16xf32> to vector<16xf32>
    tpu.vector_store %arg8[%swap3A_315], %swap3A_318 {strides = array<i32>} : memref<512xf32, #tpu.memory_space<vmem>>, vector<16xf32>,
    %get3A_319 = arith.constant 160 : index
    %get3A_320 = tpu.vector_load %arg8[%get3A_319] {strides = array<i32>} : memref<512xf32, #tpu.memory_space<vmem>>, vector<16xf32>,
    %get3A_321 = vector.shape_cast %get3A_320 : vector<16xf32> to vector<16xf32>
    %get3A_322 = arith.constant 160 : index
    %get3A_323 = tpu.vector_load %arg9[%get3A_322] {strides = array<i32>} : memref<512xf32, #tpu.memory_space<vmem>>, vector<16xf32>,
    %get3A_324 = vector.shape_cast %get3A_323 : vector<16xf32> to vector<16xf32>
    %mul3A_325 = arith.mulf %get3A_321, %get3A_324 : vector<16xf32>
    %swap3A_326 = arith.constant 160 : index
    %swap3A_327 = tpu.vector_load %arg8[%swap3A_326] {strides = array<i32>} : memref<512xf32, #tpu.memory_space<vmem>>, vector<16xf32>,
    %swap3A_328 = vector.shape_cast %swap3A_327 : vector<16xf32> to vector<16xf32>
    %swap3A_329 = vector.shape_cast %mul3A_325 : vector<16xf32> to vector<16xf32>
    tpu.vector_store %arg8[%swap3A_326], %swap3A_329 {strides = array<i32>} : memref<512xf32, #tpu.memory_space<vmem>>, vector<16xf32>,
    %get3A_330 = arith.constant 176 : index
    %get3A_331 = tpu.vector_load %arg8[%get3A_330] {strides = array<i32>} : memref<512xf32, #tpu.memory_space<vmem>>, vector<16xf32>,
    %get3A_332 = vector.shape_cast %get3A_331 : vector<16xf32> to vector<16xf32>
    %get3A_333 = arith.constant 176 : index
    %get3A_334 = tpu.vector_load %arg9[%get3A_333] {strides = array<i32>} : memref<512xf32, #tpu.memory_space<vmem>>, vector<16xf32>,
    %get3A_335 = vector.shape_cast %get3A_334 : vector<16xf32> to vector<16xf32>
    %mul3A_336 = arith.mulf %get3A_332, %get3A_335 : vector<16xf32>
    %swap3A_337 = arith.constant 176 : index
    %swap3A_338 = tpu.vector_load %arg8[%swap3A_337] {strides = array<i32>} : memref<512xf32, #tpu.memory_space<vmem>>, vector<16xf32>,
    %swap3A_339 = vector.shape_cast %swap3A_338 : vector<16xf32> to vector<16xf32>
    %swap3A_340 = vector.shape_cast %mul3A_336 : vector<16xf32> to vector<16xf32>
    tpu.vector_store %arg8[%swap3A_337], %swap3A_340 {strides = array<i32>} : memref<512xf32, #tpu.memory_space<vmem>>, vector<16xf32>,
    %get3A_341 = arith.constant 192 : index
    %get3A_342 = tpu.vector_load %arg8[%get3A_341] {strides = array<i32>} : memref<512xf32, #tpu.memory_space<vmem>>, vector<16xf32>,
    %get3A_343 = vector.shape_cast %get3A_342 : vector<16xf32> to vector<16xf32>
    %get3A_344 = arith.constant 192 : index
    %get3A_345 = tpu.vector_load %arg9[%get3A_344] {strides = array<i32>} : memref<512xf32, #tpu.memory_space<vmem>>, vector<16xf32>,
    %get3A_346 = vector.shape_cast %get3A_345 : vector<16xf32> to vector<16xf32>
    %mul3A_347 = arith.mulf %get3A_343, %get3A_346 : vector<16xf32>
    %swap3A_348 = arith.constant 192 : index
    %swap3A_349 = tpu.vector_load %arg8[%swap3A_348] {strides = array<i32>} : memref<512xf32, #tpu.memory_space<vmem>>, vector<16xf32>,
    %swap3A_350 = vector.shape_cast %swap3A_349 : vector<16xf32> to vector<16xf32>
    %swap3A_351 = vector.shape_cast %mul3A_347 : vector<16xf32> to vector<16xf32>
    tpu.vector_store %arg8[%swap3A_348], %swap3A_351 {strides = array<i32>} : memref<512xf32, #tpu.memory_space<vmem>>, vector<16xf32>,
    %get3A_352 = arith.constant 208 : index
    %get3A_353 = tpu.vector_load %arg8[%get3A_352] {strides = array<i32>} : memref<512xf32, #tpu.memory_space<vmem>>, vector<16xf32>,
    %get3A_354 = vector.shape_cast %get3A_353 : vector<16xf32> to vector<16xf32>
    %get3A_355 = arith.constant 208 : index
    %get3A_356 = tpu.vector_load %arg9[%get3A_355] {strides = array<i32>} : memref<512xf32, #tpu.memory_space<vmem>>, vector<16xf32>,
    %get3A_357 = vector.shape_cast %get3A_356 : vector<16xf32> to vector<16xf32>
    %mul3A_358 = arith.mulf %get3A_354, %get3A_357 : vector<16xf32>
    %swap3A_359 = arith.constant 208 : index
    %swap3A_360 = tpu.vector_load %arg8[%swap3A_359] {strides = array<i32>} : memref<512xf32, #tpu.memory_space<vmem>>, vector<16xf32>,
    %swap3A_361 = vector.shape_cast %swap3A_360 : vector<16xf32> to vector<16xf32>
    %swap3A_362 = vector.shape_cast %mul3A_358 : vector<16xf32> to vector<16xf32>
    tpu.vector_store %arg8[%swap3A_359], %swap3A_362 {strides = array<i32>} : memref<512xf32, #tpu.memory_space<vmem>>, vector<16xf32>,
    %get3A_363 = arith.constant 224 : index
    %get3A_364 = tpu.vector_load %arg8[%get3A_363] {strides = array<i32>} : memref<512xf32, #tpu.memory_space<vmem>>, vector<16xf32>,
    %get3A_365 = vector.shape_cast %get3A_364 : vector<16xf32> to vector<16xf32>
    %get3A_366 = arith.constant 224 : index
    %get3A_367 = tpu.vector_load %arg9[%get3A_366] {strides = array<i32>} : memref<512xf32, #tpu.memory_space<vmem>>, vector<16xf32>,
    %get3A_368 = vector.shape_cast %get3A_367 : vector<16xf32> to vector<16xf32>
    %mul3A_369 = arith.mulf %get3A_365, %get3A_368 : vector<16xf32>
    %swap3A_370 = arith.constant 224 : index
    %swap3A_371 = tpu.vector_load %arg8[%swap3A_370] {strides = array<i32>} : memref<512xf32, #tpu.memory_space<vmem>>, vector<16xf32>,
    %swap3A_372 = vector.shape_cast %swap3A_371 : vector<16xf32> to vector<16xf32>
    %swap3A_373 = vector.shape_cast %mul3A_369 : vector<16xf32> to vector<16xf32>
    tpu.vector_store %arg8[%swap3A_370], %swap3A_373 {strides = array<i32>} : memref<512xf32, #tpu.memory_space<vmem>>, vector<16xf32>,
    %get3A_374 = arith.constant 240 : index
    %get3A_375 = tpu.vector_load %arg8[%get3A_374] {strides = array<i32>} : memref<512xf32, #tpu.memory_space<vmem>>, vector<16xf32>,
    %get3A_376 = vector.shape_cast %get3A_375 : vector<16xf32> to vector<16xf32>
    %get3A_377 = arith.constant 240 : index
    %get3A_378 = tpu.vector_load %arg9[%get3A_377] {strides = array<i32>} : memref<512xf32, #tpu.memory_space<vmem>>, vector<16xf32>,
    %get3A_379 = vector.shape_cast %get3A_378 : vector<16xf32> to vector<16xf32>
    %mul3A_380 = arith.mulf %get3A_376, %get3A_379 : vector<16xf32>
    %swap3A_381 = arith.constant 240 : index
    %swap3A_382 = tpu.vector_load %arg8[%swap3A_381] {strides = array<i32>} : memref<512xf32, #tpu.memory_space<vmem>>, vector<16xf32>,
    %swap3A_383 = vector.shape_cast %swap3A_382 : vector<16xf32> to vector<16xf32>
    %swap3A_384 = vector.shape_cast %mul3A_380 : vector<16xf32> to vector<16xf32>
    tpu.vector_store %arg8[%swap3A_381], %swap3A_384 {strides = array<i32>} : memref<512xf32, #tpu.memory_space<vmem>>, vector<16xf32>,
    %get3A_385 = arith.constant 256 : index
    %get3A_386 = tpu.vector_load %arg8[%get3A_385] {strides = array<i32>} : memref<512xf32, #tpu.memory_space<vmem>>, vector<16xf32>,
    %get3A_387 = vector.shape_cast %get3A_386 : vector<16xf32> to vector<16xf32>
    %get3A_388 = arith.constant 256 : index
    %get3A_389 = tpu.vector_load %arg9[%get3A_388] {strides = array<i32>} : memref<512xf32, #tpu.memory_space<vmem>>, vector<16xf32>,
    %get3A_390 = vector.shape_cast %get3A_389 : vector<16xf32> to vector<16xf32>
    %mul3A_391 = arith.mulf %get3A_387, %get3A_390 : vector<16xf32>
    %swap3A_392 = arith.constant 256 : index
    %swap3A_393 = tpu.vector_load %arg8[%swap3A_392] {strides = array<i32>} : memref<512xf32, #tpu.memory_space<vmem>>, vector<16xf32>,
    %swap3A_394 = vector.shape_cast %swap3A_393 : vector<16xf32> to vector<16xf32>
    %swap3A_395 = vector.shape_cast %mul3A_391 : vector<16xf32> to vector<16xf32>
    tpu.vector_store %arg8[%swap3A_392], %swap3A_395 {strides = array<i32>} : memref<512xf32, #tpu.memory_space<vmem>>, vector<16xf32>,
    %get3A_396 = arith.constant 272 : index
    %get3A_397 = tpu.vector_load %arg8[%get3A_396] {strides = array<i32>} : memref<512xf32, #tpu.memory_space<vmem>>, vector<16xf32>,
    %get3A_398 = vector.shape_cast %get3A_397 : vector<16xf32> to vector<16xf32>
    %get3A_399 = arith.constant 272 : index
    %get3A_400 = tpu.vector_load %arg9[%get3A_399] {strides = array<i32>} : memref<512xf32, #tpu.memory_space<vmem>>, vector<16xf32>,
    %get3A_401 = vector.shape_cast %get3A_400 : vector<16xf32> to vector<16xf32>
    %mul3A_402 = arith.mulf %get3A_398, %get3A_401 : vector<16xf32>
    %swap3A_403 = arith.constant 272 : index
    %swap3A_404 = tpu.vector_load %arg8[%swap3A_403] {strides = array<i32>} : memref<512xf32, #tpu.memory_space<vmem>>, vector<16xf32>,
    %swap3A_405 = vector.shape_cast %swap3A_404 : vector<16xf32> to vector<16xf32>
    %swap3A_406 = vector.shape_cast %mul3A_402 : vector<16xf32> to vector<16xf32>
    tpu.vector_store %arg8[%swap3A_403], %swap3A_406 {strides = array<i32>} : memref<512xf32, #tpu.memory_space<vmem>>, vector<16xf32>,
    %get3A_407 = arith.constant 288 : index
    %get3A_408 = tpu.vector_load %arg8[%get3A_407] {strides = array<i32>} : memref<512xf32, #tpu.memory_space<vmem>>, vector<16xf32>,
    %get3A_409 = vector.shape_cast %get3A_408 : vector<16xf32> to vector<16xf32>
    %get3A_410 = arith.constant 288 : index
    %get3A_411 = tpu.vector_load %arg9[%get3A_410] {strides = array<i32>} : memref<512xf32, #tpu.memory_space<vmem>>, vector<16xf32>,
    %get3A_412 = vector.shape_cast %get3A_411 : vector<16xf32> to vector<16xf32>
    %mul3A_413 = arith.mulf %get3A_409, %get3A_412 : vector<16xf32>
    %swap3A_414 = arith.constant 288 : index
    %swap3A_415 = tpu.vector_load %arg8[%swap3A_414] {strides = array<i32>} : memref<512xf32, #tpu.memory_space<vmem>>, vector<16xf32>,
    %swap3A_416 = vector.shape_cast %swap3A_415 : vector<16xf32> to vector<16xf32>
    %swap3A_417 = vector.shape_cast %mul3A_413 : vector<16xf32> to vector<16xf32>
    tpu.vector_store %arg8[%swap3A_414], %swap3A_417 {strides = array<i32>} : memref<512xf32, #tpu.memory_space<vmem>>, vector<16xf32>,
    %get3A_418 = arith.constant 304 : index
    %get3A_419 = tpu.vector_load %arg8[%get3A_418] {strides = array<i32>} : memref<512xf32, #tpu.memory_space<vmem>>, vector<16xf32>,
    %get3A_420 = vector.shape_cast %get3A_419 : vector<16xf32> to vector<16xf32>
    %get3A_421 = arith.constant 304 : index
    %get3A_422 = tpu.vector_load %arg9[%get3A_421] {strides = array<i32>} : memref<512xf32, #tpu.memory_space<vmem>>, vector<16xf32>,
    %get3A_423 = vector.shape_cast %get3A_422 : vector<16xf32> to vector<16xf32>
    %mul3A_424 = arith.mulf %get3A_420, %get3A_423 : vector<16xf32>
    %swap3A_425 = arith.constant 304 : index
    %swap3A_426 = tpu.vector_load %arg8[%swap3A_425] {strides = array<i32>} : memref<512xf32, #tpu.memory_space<vmem>>, vector<16xf32>,
    %swap3A_427 = vector.shape_cast %swap3A_426 : vector<16xf32> to vector<16xf32>
    %swap3A_428 = vector.shape_cast %mul3A_424 : vector<16xf32> to vector<16xf32>
    tpu.vector_store %arg8[%swap3A_425], %swap3A_428 {strides = array<i32>} : memref<512xf32, #tpu.memory_space<vmem>>, vector<16xf32>,
    %get3A_429 = arith.constant 320 : index
    %get3A_430 = tpu.vector_load %arg8[%get3A_429] {strides = array<i32>} : memref<512xf32, #tpu.memory_space<vmem>>, vector<16xf32>,
    %get3A_431 = vector.shape_cast %get3A_430 : vector<16xf32> to vector<16xf32>
    %get3A_432 = arith.constant 320 : index
    %get3A_433 = tpu.vector_load %arg9[%get3A_432] {strides = array<i32>} : memref<512xf32, #tpu.memory_space<vmem>>, vector<16xf32>,
    %get3A_434 = vector.shape_cast %get3A_433 : vector<16xf32> to vector<16xf32>
    %mul3A_435 = arith.mulf %get3A_431, %get3A_434 : vector<16xf32>
    %swap3A_436 = arith.constant 320 : index
    %swap3A_437 = tpu.vector_load %arg8[%swap3A_436] {strides = array<i32>} : memref<512xf32, #tpu.memory_space<vmem>>, vector<16xf32>,
    %swap3A_438 = vector.shape_cast %swap3A_437 : vector<16xf32> to vector<16xf32>
    %swap3A_439 = vector.shape_cast %mul3A_435 : vector<16xf32> to vector<16xf32>
    tpu.vector_store %arg8[%swap3A_436], %swap3A_439 {strides = array<i32>} : memref<512xf32, #tpu.memory_space<vmem>>, vector<16xf32>,
    %get3A_440 = arith.constant 336 : index
    %get3A_441 = tpu.vector_load %arg8[%get3A_440] {strides = array<i32>} : memref<512xf32, #tpu.memory_space<vmem>>, vector<16xf32>,
    %get3A_442 = vector.shape_cast %get3A_441 : vector<16xf32> to vector<16xf32>
    %get3A_443 = arith.constant 336 : index
    %get3A_444 = tpu.vector_load %arg9[%get3A_443] {strides = array<i32>} : memref<512xf32, #tpu.memory_space<vmem>>, vector<16xf32>,
    %get3A_445 = vector.shape_cast %get3A_444 : vector<16xf32> to vector<16xf32>
    %mul3A_446 = arith.mulf %get3A_442, %get3A_445 : vector<16xf32>
    %swap3A_447 = arith.constant 336 : index
    %swap3A_448 = tpu.vector_load %arg8[%swap3A_447] {strides = array<i32>} : memref<512xf32, #tpu.memory_space<vmem>>, vector<16xf32>,
    %swap3A_449 = vector.shape_cast %swap3A_448 : vector<16xf32> to vector<16xf32>
    %swap3A_450 = vector.shape_cast %mul3A_446 : vector<16xf32> to vector<16xf32>
    tpu.vector_store %arg8[%swap3A_447], %swap3A_450 {strides = array<i32>} : memref<512xf32, #tpu.memory_space<vmem>>, vector<16xf32>,
    %get3A_451 = arith.constant 352 : index
    %get3A_452 = tpu.vector_load %arg8[%get3A_451] {strides = array<i32>} : memref<512xf32, #tpu.memory_space<vmem>>, vector<16xf32>,
    %get3A_453 = vector.shape_cast %get3A_452 : vector<16xf32> to vector<16xf32>
    %get3A_454 = arith.constant 352 : index
    %get3A_455 = tpu.vector_load %arg9[%get3A_454] {strides = array<i32>} : memref<512xf32, #tpu.memory_space<vmem>>, vector<16xf32>,
    %get3A_456 = vector.shape_cast %get3A_455 : vector<16xf32> to vector<16xf32>
    %mul3A_457 = arith.mulf %get3A_453, %get3A_456 : vector<16xf32>
    %swap3A_458 = arith.constant 352 : index
    %swap3A_459 = tpu.vector_load %arg8[%swap3A_458] {strides = array<i32>} : memref<512xf32, #tpu.memory_space<vmem>>, vector<16xf32>,
    %swap3A_460 = vector.shape_cast %swap3A_459 : vector<16xf32> to vector<16xf32>
    %swap3A_461 = vector.shape_cast %mul3A_457 : vector<16xf32> to vector<16xf32>
    tpu.vector_store %arg8[%swap3A_458], %swap3A_461 {strides = array<i32>} : memref<512xf32, #tpu.memory_space<vmem>>, vector<16xf32>,
    %get3A_462 = arith.constant 368 : index
    %get3A_463 = tpu.vector_load %arg8[%get3A_462] {strides = array<i32>} : memref<512xf32, #tpu.memory_space<vmem>>, vector<16xf32>,
    %get3A_464 = vector.shape_cast %get3A_463 : vector<16xf32> to vector<16xf32>
    %get3A_465 = arith.constant 368 : index
    %get3A_466 = tpu.vector_load %arg9[%get3A_465] {strides = array<i32>} : memref<512xf32, #tpu.memory_space<vmem>>, vector<16xf32>,
    %get3A_467 = vector.shape_cast %get3A_466 : vector<16xf32> to vector<16xf32>
    %mul3A_468 = arith.mulf %get3A_464, %get3A_467 : vector<16xf32>
    %swap3A_469 = arith.constant 368 : index
    %swap3A_470 = tpu.vector_load %arg8[%swap3A_469] {strides = array<i32>} : memref<512xf32, #tpu.memory_space<vmem>>, vector<16xf32>,
    %swap3A_471 = vector.shape_cast %swap3A_470 : vector<16xf32> to vector<16xf32>
    %swap3A_472 = vector.shape_cast %mul3A_468 : vector<16xf32> to vector<16xf32>
    tpu.vector_store %arg8[%swap3A_469], %swap3A_472 {strides = array<i32>} : memref<512xf32, #tpu.memory_space<vmem>>, vector<16xf32>,
    %get3A_473 = arith.constant 384 : index
    %get3A_474 = tpu.vector_load %arg8[%get3A_473] {strides = array<i32>} : memref<512xf32, #tpu.memory_space<vmem>>, vector<16xf32>,
    %get3A_475 = vector.shape_cast %get3A_474 : vector<16xf32> to vector<16xf32>
    %get3A_476 = arith.constant 384 : index
    %get3A_477 = tpu.vector_load %arg9[%get3A_476] {strides = array<i32>} : memref<512xf32, #tpu.memory_space<vmem>>, vector<16xf32>,
    %get3A_478 = vector.shape_cast %get3A_477 : vector<16xf32> to vector<16xf32>
    %mul3A_479 = arith.mulf %get3A_475, %get3A_478 : vector<16xf32>
    %swap3A_480 = arith.constant 384 : index
    %swap3A_481 = tpu.vector_load %arg8[%swap3A_480] {strides = array<i32>} : memref<512xf32, #tpu.memory_space<vmem>>, vector<16xf32>,
    %swap3A_482 = vector.shape_cast %swap3A_481 : vector<16xf32> to vector<16xf32>
    %swap3A_483 = vector.shape_cast %mul3A_479 : vector<16xf32> to vector<16xf32>
    tpu.vector_store %arg8[%swap3A_480], %swap3A_483 {strides = array<i32>} : memref<512xf32, #tpu.memory_space<vmem>>, vector<16xf32>,
    %get3A_484 = arith.constant 400 : index
    %get3A_485 = tpu.vector_load %arg8[%get3A_484] {strides = array<i32>} : memref<512xf32, #tpu.memory_space<vmem>>, vector<16xf32>,
    %get3A_486 = vector.shape_cast %get3A_485 : vector<16xf32> to vector<16xf32>
    %get3A_487 = arith.constant 400 : index
    %get3A_488 = tpu.vector_load %arg9[%get3A_487] {strides = array<i32>} : memref<512xf32, #tpu.memory_space<vmem>>, vector<16xf32>,
    %get3A_489 = vector.shape_cast %get3A_488 : vector<16xf32> to vector<16xf32>
    %mul3A_490 = arith.mulf %get3A_486, %get3A_489 : vector<16xf32>
    %swap3A_491 = arith.constant 400 : index
    %swap3A_492 = tpu.vector_load %arg8[%swap3A_491] {strides = array<i32>} : memref<512xf32, #tpu.memory_space<vmem>>, vector<16xf32>,
    %swap3A_493 = vector.shape_cast %swap3A_492 : vector<16xf32> to vector<16xf32>
    %swap3A_494 = vector.shape_cast %mul3A_490 : vector<16xf32> to vector<16xf32>
    tpu.vector_store %arg8[%swap3A_491], %swap3A_494 {strides = array<i32>} : memref<512xf32, #tpu.memory_space<vmem>>, vector<16xf32>,
    %get3A_495 = arith.constant 416 : index
    %get3A_496 = tpu.vector_load %arg8[%get3A_495] {strides = array<i32>} : memref<512xf32, #tpu.memory_space<vmem>>, vector<16xf32>,
    %get3A_497 = vector.shape_cast %get3A_496 : vector<16xf32> to vector<16xf32>
    %get3A_498 = arith.constant 416 : index
    %get3A_499 = tpu.vector_load %arg9[%get3A_498] {strides = array<i32>} : memref<512xf32, #tpu.memory_space<vmem>>, vector<16xf32>,
    %get3A_500 = vector.shape_cast %get3A_499 : vector<16xf32> to vector<16xf32>
    %mul3A_501 = arith.mulf %get3A_497, %get3A_500 : vector<16xf32>
    %swap3A_502 = arith.constant 416 : index
    %swap3A_503 = tpu.vector_load %arg8[%swap3A_502] {strides = array<i32>} : memref<512xf32, #tpu.memory_space<vmem>>, vector<16xf32>,
    %swap3A_504 = vector.shape_cast %swap3A_503 : vector<16xf32> to vector<16xf32>
    %swap3A_505 = vector.shape_cast %mul3A_501 : vector<16xf32> to vector<16xf32>
    tpu.vector_store %arg8[%swap3A_502], %swap3A_505 {strides = array<i32>} : memref<512xf32, #tpu.memory_space<vmem>>, vector<16xf32>,
    %get3A_506 = arith.constant 432 : index
    %get3A_507 = tpu.vector_load %arg8[%get3A_506] {strides = array<i32>} : memref<512xf32, #tpu.memory_space<vmem>>, vector<16xf32>,
    %get3A_508 = vector.shape_cast %get3A_507 : vector<16xf32> to vector<16xf32>
    %get3A_509 = arith.constant 432 : index
    %get3A_510 = tpu.vector_load %arg9[%get3A_509] {strides = array<i32>} : memref<512xf32, #tpu.memory_space<vmem>>, vector<16xf32>,
    %get3A_511 = vector.shape_cast %get3A_510 : vector<16xf32> to vector<16xf32>
    %mul3A_512 = arith.mulf %get3A_508, %get3A_511 : vector<16xf32>
    %swap3A_513 = arith.constant 432 : index
    %swap3A_514 = tpu.vector_load %arg8[%swap3A_513] {strides = array<i32>} : memref<512xf32, #tpu.memory_space<vmem>>, vector<16xf32>,
    %swap3A_515 = vector.shape_cast %swap3A_514 : vector<16xf32> to vector<16xf32>
    %swap3A_516 = vector.shape_cast %mul3A_512 : vector<16xf32> to vector<16xf32>
    tpu.vector_store %arg8[%swap3A_513], %swap3A_516 {strides = array<i32>} : memref<512xf32, #tpu.memory_space<vmem>>, vector<16xf32>,
    %get3A_517 = arith.constant 448 : index
    %get3A_518 = tpu.vector_load %arg8[%get3A_517] {strides = array<i32>} : memref<512xf32, #tpu.memory_space<vmem>>, vector<16xf32>,
    %get3A_519 = vector.shape_cast %get3A_518 : vector<16xf32> to vector<16xf32>
    %get3A_520 = arith.constant 448 : index
    %get3A_521 = tpu.vector_load %arg9[%get3A_520] {strides = array<i32>} : memref<512xf32, #tpu.memory_space<vmem>>, vector<16xf32>,
    %get3A_522 = vector.shape_cast %get3A_521 : vector<16xf32> to vector<16xf32>
    %mul3A_523 = arith.mulf %get3A_519, %get3A_522 : vector<16xf32>
    %swap3A_524 = arith.constant 448 : index
    %swap3A_525 = tpu.vector_load %arg8[%swap3A_524] {strides = array<i32>} : memref<512xf32, #tpu.memory_space<vmem>>, vector<16xf32>,
    %swap3A_526 = vector.shape_cast %swap3A_525 : vector<16xf32> to vector<16xf32>
    %swap3A_527 = vector.shape_cast %mul3A_523 : vector<16xf32> to vector<16xf32>
    tpu.vector_store %arg8[%swap3A_524], %swap3A_527 {strides = array<i32>} : memref<512xf32, #tpu.memory_space<vmem>>, vector<16xf32>,
    %get3A_528 = arith.constant 464 : index
    %get3A_529 = tpu.vector_load %arg8[%get3A_528] {strides = array<i32>} : memref<512xf32, #tpu.memory_space<vmem>>, vector<16xf32>,
    %get3A_530 = vector.shape_cast %get3A_529 : vector<16xf32> to vector<16xf32>
    %get3A_531 = arith.constant 464 : index
    %get3A_532 = tpu.vector_load %arg9[%get3A_531] {strides = array<i32>} : memref<512xf32, #tpu.memory_space<vmem>>, vector<16xf32>,
    %get3A_533 = vector.shape_cast %get3A_532 : vector<16xf32> to vector<16xf32>
    %mul3A_534 = arith.mulf %get3A_530, %get3A_533 : vector<16xf32>
    %swap3A_535 = arith.constant 464 : index
    %swap3A_536 = tpu.vector_load %arg8[%swap3A_535] {strides = array<i32>} : memref<512xf32, #tpu.memory_space<vmem>>, vector<16xf32>,
    %swap3A_537 = vector.shape_cast %swap3A_536 : vector<16xf32> to vector<16xf32>
    %swap3A_538 = vector.shape_cast %mul3A_534 : vector<16xf32> to vector<16xf32>
    tpu.vector_store %arg8[%swap3A_535], %swap3A_538 {strides = array<i32>} : memref<512xf32, #tpu.memory_space<vmem>>, vector<16xf32>,
    %get3A_539 = arith.constant 480 : index
    %get3A_540 = tpu.vector_load %arg8[%get3A_539] {strides = array<i32>} : memref<512xf32, #tpu.memory_space<vmem>>, vector<16xf32>,
    %get3A_541 = vector.shape_cast %get3A_540 : vector<16xf32> to vector<16xf32>
    %get3A_542 = arith.constant 480 : index
    %get3A_543 = tpu.vector_load %arg9[%get3A_542] {strides = array<i32>} : memref<512xf32, #tpu.memory_space<vmem>>, vector<16xf32>,
    %get3A_544 = vector.shape_cast %get3A_543 : vector<16xf32> to vector<16xf32>
    %mul3A_545 = arith.mulf %get3A_541, %get3A_544 : vector<16xf32>
    %swap3A_546 = arith.constant 480 : index
    %swap3A_547 = tpu.vector_load %arg8[%swap3A_546] {strides = array<i32>} : memref<512xf32, #tpu.memory_space<vmem>>, vector<16xf32>,
    %swap3A_548 = vector.shape_cast %swap3A_547 : vector<16xf32> to vector<16xf32>
    %swap3A_549 = vector.shape_cast %mul3A_545 : vector<16xf32> to vector<16xf32>
    tpu.vector_store %arg8[%swap3A_546], %swap3A_549 {strides = array<i32>} : memref<512xf32, #tpu.memory_space<vmem>>, vector<16xf32>,
    %get3A_550 = arith.constant 496 : index
    %get3A_551 = tpu.vector_load %arg8[%get3A_550] {strides = array<i32>} : memref<512xf32, #tpu.memory_space<vmem>>, vector<16xf32>,
    %get3A_552 = vector.shape_cast %get3A_551 : vector<16xf32> to vector<16xf32>
    %get3A_553 = arith.constant 496 : index
    %get3A_554 = tpu.vector_load %arg9[%get3A_553] {strides = array<i32>} : memref<512xf32, #tpu.memory_space<vmem>>, vector<16xf32>,
    %get3A_555 = vector.shape_cast %get3A_554 : vector<16xf32> to vector<16xf32>
    %mul3A_556 = arith.mulf %get3A_552, %get3A_555 : vector<16xf32>
    %swap3A_557 = arith.constant 496 : index
    %swap3A_558 = tpu.vector_load %arg8[%swap3A_557] {strides = array<i32>} : memref<512xf32, #tpu.memory_space<vmem>>, vector<16xf32>,
    %swap3A_559 = vector.shape_cast %swap3A_558 : vector<16xf32> to vector<16xf32>
    %swap3A_560 = vector.shape_cast %mul3A_556 : vector<16xf32> to vector<16xf32>
    tpu.vector_store %arg8[%swap3A_557], %swap3A_560 {strides = array<i32>} : memref<512xf32, #tpu.memory_space<vmem>>, vector<16xf32>,
    %mul3A_561 = arith.constant 512 : i32
    %mul3A_562 = arith.muli %add3A, %mul3A_561 : i32
    "tpu.region"() ({
      %run_scoped3A = tpu.sem_alloc : memref<!tpu.dma_semaphore, #tpu.memory_space<semaphore_mem>>
      %dma_start3A_563 = tpu.memref_slice %arg5[%mul3A_562] : memref<16384xf32, #tpu.memory_space<hbm>> -> memref<512xf32, #tpu.memory_space<hbm>>
      %dma_start3A_564 = tpu.memref_slice %arg5[%mul3A_562] : memref<16384xf32, #tpu.memory_space<hbm>> -> memref<512xf32, #tpu.memory_space<hbm>>
      tpu.enqueue_dma source(%arg8 : memref<512xf32, #tpu.memory_space<vmem>>) target(%dma_start3A_564 : memref<512xf32, #tpu.memory_space<hbm>>) target_semaphore(%run_scoped3A : memref<!tpu.dma_semaphore, #tpu.memory_space<semaphore_mem>>)
      %dma_wait3A_565 = tpu.memref_slice %arg5[%mul3A_562] : memref<16384xf32, #tpu.memory_space<hbm>> -> memref<512xf32, #tpu.memory_space<hbm>>
      %dma_wait3A_566 = tpu.memref_slice %arg5[%mul3A_562] : memref<16384xf32, #tpu.memory_space<hbm>> -> memref<512xf32, #tpu.memory_space<hbm>>
      tpu.wait_dma2 semaphore(%run_scoped3A : memref<!tpu.dma_semaphore, #tpu.memory_space<semaphore_mem>>) src(%arg8 : memref<512xf32, #tpu.memory_space<vmem>>) dst(%dma_wait3A_566 : memref<512xf32, #tpu.memory_space<hbm>>)
      tpu.yield
    }) : () -> ()
    return
  }
}

</mosaic_0001>

<sc_bundles>
// kernel: kernel.3.cloned.1.call-start
scs
__scs_entry_jumppad:
0x0: {  	(pc) =	sbr.rel $0x88, $3  }
0x1: {  	(tag) =	ssettag $0x0;
	lr =	simm.s32 $0x1  }
0x2: {  	[smem:$0x3F9C] =	sst lr;
	_ =	strace $0xD0000000  }
0x3: {  	_ = 	snop  }
0x4: {  	_ = 	snop  }
0x5: {  	_ = 	snop  }
0x6: {  	_ = 	snop  }
0x7: {  	_ = 	snop  }
__scs_overlays_trampoline_lowered:
0x8: {  	[smem:$0x3FAB] =	sst s0  }
0x9: {  	[smem:$0x3FAC] =	sst s1  }
0xa: {  	[smem:$0x3FAD] =	sst s2  }
0xb: {  	[smem:$0x3FAE] =	sst s3  }
0xc: {  	[smem:$0x3FAF] =	sst s4  }
0xd: {  	[smem:$0x3FB0] =	sst s5  }
0xe: {  	[smem:$0x3FB1] =	sst s6  }
0xf: {  	[smem:$0x3FB2] =	sst s7  }
0x10: {  	[smem:$0x3FB3] =	sst s8  }
0x11: {  	[smem:$0x3FB4] =	sst s9;
	s0 =	simm.s32 @!p0 $0x0  }
0x12: {  	s1 =	sld [smem:$0x3F9A];
	s0 =	simm.s32 @p0 $0x1  }
0x13: {  	[smem:$0x3FB5] =	sst s0;
	s0 =	simm.s32 @!p1 $0x0  }
0x14: {  	s2 =	sld [smem:$0x3F99];
	s0 =	simm.s32 @p1 $0x1  }
0x15: {  	[smem:$0x3FB6] =	sst s0;
	s0 =	simm.s32 @!p2 $0x0  }
0x16: {  	s3 =	sld [smem:$0x3FDB];
	s0 =	simm.s32 @p2 $0x1  }
0x17: {  	s4 =	simm.s32 $0x1BF5;
	[smem:$0x3FB8] =	sst s0  }
0x18: {  	s0 =	sld [smem:$0x3F9B];
	_ =	swait.ge [sflag:s4], $0x0  }
0x19: {  	s7 =	sld [smem:$0x3F9C]  }
0x1a: {  	s8 =	sadd.s32 $0xFFFFE003, lr  }
0x1b: {  	s9 =	sadd.s32 $0xFFFFFEF7, lr;
	s5 =	simm.s32 $0xFFFFFFFF;
	p2 =	slt.u32 s8, $0xFFFFF086  }
0x1c: {  	p1 =	slt.u32 s9, $0xF7A;
	s5 =	simm.s32 @!p2 $0x0  }
0x1d: {  	s5 =	simm.s32 @p1 $0x1;
	p0 =	seq.s32 s7, s2  }
0x1e: {  	s7 =	smul.u32 @!p0 $0xF7A, s2;
	p2 =	seq.s32 @!p0 s5, $0x0  }
0x1f: {  	s9 =	smul.u32 $0xF7A, s1;
	s8 =	simm.s32 @!p0 $0x1BF5;
	p2 =	por !p2, p0  }
0x20: {  	[sflag:s8] =	ssyncset.s32 @!p0 $0xFFFFF086;
	s6 =	sadd.s32 @!p0 s3, s7;
	s7 =	simm.s32 @!p0 $0x108  }
0x21: {  	s3 =	sadd.s32 s3, s9;
	s6 =	sadd.s32 @!p0 $0x88, s6;
	s7 =	simm.s32 @p2 $0x1082  }
0x22: {  	[simem:s7], [sflag:s8] =	dma.local @!p0 [hbm:s6], $0xF7A  }
0x23: {  	s9 =	sor.u32 $0xD0000000, s2;
	s6 =	simm.s32 $0x108;
	_ =	swait.ge @!p0 [sflag:s8], $0x0  }
0x24: {  	s3 =	sadd.s32 $0x88, s3;
	s6 =	simm.s32 @!p1 $0x1082;
	[sflag:s4] =	ssyncset.s32 $0xFFFFF086  }
0x25: {  	[simem:s6], [sflag:s4] =	dma.local [hbm:s3], $0xF7A  }
0x26: {  	[smem:$0x3F9C] =	sst s1;
	(tag) =	ssettag s2;
	_ =	strace s9  }
0x27: {  	s1 =	sld [smem:$0x3FAC]  }
0x28: {  	s2 =	sld [smem:$0x3FAD]  }
0x29: {  	s4 =	sld [smem:$0x3FAF]  }
0x2a: {  	p0 =	seq.s32 s5, $0x0;
	s5 =	sld [smem:$0x3FB0]  }
0x2b: {  	s6 =	sld [smem:$0x3FB1]  }
0x2c: {  	s7 =	sld [smem:$0x3FB2]  }
0x2d: {  	s3 =	simm.s32 $0x108;
	s8 =	sld [smem:$0x3FB3]  }
0x2e: {  	s3 =	simm.s32 @!p0 $0x1082;
	s9 =	sld [smem:$0x3FB4]  }
0x2f: {  	lr =	sadd.s32 s0, s3;
	s0 =	sld [smem:$0x3FAB]  }
0x30: {  	s3 =	sld [smem:$0x3FAE]  }
0x31: {  	[smem:$0x3FB7] =	sst s10  }
0x32: {  	s10 =	sld [smem:$0x3FB5];
	_ =	sdelay $0x3  }
0x33: {  	p0 =	seq.s32 s10, $0x1;
	s10 =	sld [smem:$0x3FB7];
	_ =	sdelay $0x3  }
0x34: {  	[smem:$0x3FB7] =	sst s10  }
0x35: {  	s10 =	sld [smem:$0x3FB6];
	_ =	sdelay $0x3  }
0x36: {  	p1 =	seq.s32 s10, $0x1;
	s10 =	sld [smem:$0x3FB7];
	_ =	sdelay $0x3  }
0x37: {  	[smem:$0x3FB7] =	sst s10  }
0x38: {  	s10 =	sld [smem:$0x3FB8]  }
0x39: {  	_ = 	snop;
	(pc) =	sbr.ind lr, $3  }
0x3a: {  	_ = 	snop  }
0x3b: {  	_ = 	snop  }
0x3c: {  	p2 =	seq.s32 s10, $0x1;
	s10 =	sld [smem:$0x3FB7]  }
0x3d: {  	_ =	shalt  }
0x3e: {  	_ =	shalt  }
0x3f: {  	_ =	shalt  }
0x40: {  	_ =	shalt  }
0x41: {  	_ =	shalt  }
0x42: {  	_ =	shalt  }
0x43: {  	_ =	shalt  }
0x44: {  	_ =	shalt  }
0x45: {  	_ =	shalt  }
0x46: {  	_ =	shalt  }
0x47: {  	_ =	shalt  }
0x48: {  	_ =	shalt  }
0x49: {  	_ =	shalt  }
0x4a: {  	_ =	shalt  }
0x4b: {  	_ =	shalt  }
0x4c: {  	_ =	shalt  }
0x4d: {  	_ =	shalt  }
0x4e: {  	_ =	shalt  }
0x4f: {  	_ =	shalt  }
0x50: {  	_ =	shalt  }
0x51: {  	_ =	shalt  }
0x52: {  	_ =	shalt  }
0x53: {  	_ =	shalt  }
0x54: {  	_ =	shalt  }
0x55: {  	_ =	shalt  }
0x56: {  	_ =	shalt  }
0x57: {  	_ =	shalt  }
0x58: {  	_ =	shalt  }
0x59: {  	_ =	shalt  }
0x5a: {  	_ =	shalt  }
0x5b: {  	_ =	shalt  }
0x5c: {  	_ =	shalt  }
0x5d: {  	_ =	shalt  }
0x5e: {  	_ =	shalt  }
0x5f: {  	_ =	shalt  }
0x60: {  	_ =	shalt  }
0x61: {  	_ =	shalt  }
0x62: {  	_ =	shalt  }
0x63: {  	_ =	shalt  }
0x64: {  	_ =	shalt  }
0x65: {  	_ =	shalt  }
0x66: {  	_ =	shalt  }
0x67: {  	_ =	shalt  }
0x68: {  	_ =	shalt  }
0x69: {  	_ =	shalt  }
0x6a: {  	_ =	shalt  }
0x6b: {  	_ =	shalt  }
0x6c: {  	_ =	shalt  }
0x6d: {  	_ =	shalt  }
0x6e: {  	_ =	shalt  }
0x6f: {  	_ =	shalt  }
0x70: {  	_ =	shalt  }
0x71: {  	_ =	shalt  }
0x72: {  	_ =	shalt  }
0x73: {  	_ =	shalt  }
0x74: {  	_ =	shalt  }
0x75: {  	_ =	shalt  }
0x76: {  	_ =	shalt  }
0x77: {  	_ =	shalt  }
0x78: {  	_ =	shalt  }
0x79: {  	_ =	shalt  }
0x7a: {  	_ =	shalt  }
0x7b: {  	_ =	shalt  }
0x7c: {  	_ =	shalt  }
0x7d: {  	_ =	shalt  }
0x7e: {  	_ =	shalt  }
0x7f: {  	_ =	shalt  }
0x80: {  	_ =	shalt  }
0x81: {  	_ =	shalt  }
0x82: {  	_ =	shalt  }
0x83: {  	_ =	shalt  }
0x84: {  	_ =	shalt  }
0x85: {  	_ =	shalt  }
0x86: {  	_ =	shalt  }
0x87: {  	_ =	shalt  }
.Lfunc_end0:
.L_simem_size_0:
called_computation_lowered:
.L_overlay_start_0:
0x88: {  	s2 =	sld [smem:$0x3FD9]  }
0x89: {  	s3 =	sld [smem:$0x3FFE];
	_ =	sdelay $0x1  }
0x8a: {  	s1 =	srdreg.scid  }
0x8b: {  	s0 =	sand.u32 $0x1, s1  }
0x8c: {  	s18 =	sshll.u32 s0, $0xA;
	s2 =	sadd.s32 s3, s2  }
0x8d: {  	s2 =	sadd.s32 s2, s18  }
0x8e: {  	[smem:$0x3FC3] =	sst s2  }
0x8f: {  	_ = 	snop  }
0x90: {  	s2 =	sld [smem:$0x3FC9]  }
0x91: {  	s19 =	sld [smem:$0x3FC8]  }
0x92: {  	s4 =	sld [smem:$0x3FC7]  }
0x93: {  	s5 =	sld [smem:$0x3FD0];
	(tm) =	ssettm $0x1  }
0x94: {  	s6 =	sld [smem:$0x3FFB];
	_ =	sdelay $0x3  }
0x95: {  	_ =	strace s6  }
0x96: {  	s6 =	sld [smem:$0x3FFC];
	_ =	sdelay $0x3  }
0x97: {  	_ =	strace s6  }
0x98: {  	s6 =	sld [smem:$0x3FFD];
	_ =	sdelay $0x3  }
0x99: {  	_ =	strace s6  }
0x9a: {  	_ =	strace $0x8FFFFFFF  }
0x9b: {  	s20 =	sld [smem:$0x3FDB];
	_ =	sdelay $0x1  }
0x9c: {  	s7 =	simm.s32 $_scs_section_size  }
0x9d: {  	s8 =	simm.s32 $_size__tile_overlayer_lowered;
	s9 =	simm.s32 $_tile_overlayer_lowered  }
0x9e: {  	s23 =	simm.s32 $0x1BFF;
	s22 =	sshll.u32 s9, $0x1;
	s6 =	sadd.s32 s7, s20  }
0x9f: {  	s10 =	simm.s32 $0x0;
	s21 =	sshll.u32 s8, $0x1;
	s8 =	sadd.s32 s22, s6  }
0xa0: {  	[timem:s10], [sflag:s23] =	dma.local [hbm:s8], s21  }
0xa1: {  	_ =	swait.ge [sflag:s23], s21  }
0xa2: {  	s7 =	ssub.s32 $0x0, s21;
	[sflag:s23] =	ssyncset.done $0x0  }
0xa3: {  	[sflag:s23] =	ssyncadd.s32 s7;
	_ =	sdelay $0x1  }
0xa4: {  	s24 =	simm.s32 $0x1B8B  }
0xa5: {  	_ =	swait.ge [sflag:s24], $0x1  }
0xa6: {  	[sflag:s24] =	ssyncset.done $0x0  }
0xa7: {  	s25 =	simm.s32 $0x1B8E;
	[sflag:s24] =	ssyncadd.s32 $0xFFFFFFFF  }
0xa8: {  	s26 =	simm.s32 $execute0_lowered;
	[smem:$0x3FD2] =	sst s25  }
0xa9: {  	s7 =	sshll.u32 s26, $0x1;
	_ =	strace $0x80000046;
	[dreg:$0x1] =	wrdreg $0xFFFFFFFF  }
0xaa: {  	s28 =	simm.s32 $_size_execute0_lowered;
	s6 =	sadd.s32 s6, s7;
	[dreg:$0x0] =	wrdreg $0x0  }
0xab: {  	s7 =	sshll.u32 s28, $0x1;
	[dreg:$0x2] =	wrdreg s6  }
0xac: {  	[dreg:$0x3] =	wrdreg s7  }
0xad: {  	[dreg:$0x4] =	wrdreg $0xC0  }
0xae: {  	_ =	task [dreg:s10], $0x5FFFF  }
0xaf: {  	[dreg:$0x1] =	wrdreg $0xFFFFFFFF  }
0xb0: {  	[dreg:$0x0] =	wrdreg $0x60  }
0xb1: {  	[dreg:$0x2] =	wrdreg s2  }
0xb2: {  	[dreg:$0x3] =	wrdreg s19  }
0xb3: {  	[dreg:$0x4] =	wrdreg s4  }
0xb4: {  	[dreg:$0x5] =	wrdreg s5  }
0xb5: {  	[dreg:$0x6] =	wrdreg $0x9  }
0xb6: {  	_ =	task.clear_ibuf [dreg:s10], $0x7FFFF;
	_ =	strace $0x90000046  }
0xb7: {  	s29 =	simm.s32 $0x9;
	_ =	strace $0x80000048  }
0xb8: {  	_ =	swait.ge [sflag:s29], $0x1  }
0xb9: {  	[sflag:s29] =	ssyncadd.s32 $0xFFFFFFFF  }
0xba: {  	_ =	strace $0x90000048  }
0xbb: {  	_ =	sfence  }
0xbc: {  	s30 =	sld [smem:$0x0];
	_ =	sdelay $0x2  }
0xbd: {  	s31 =	sshll.u32 s1, $0xD;
	s1 =	sshrl.u32 s1, $0x2  }
0xbe: {  	s3 =	sand.u32 $0x4000, s31;
	s1 =	sadd.s32 s1, s30  }
0xbf: {  	s0 =	sor.u32 s3, s0;
	s1 =	sshll.u32 s1, $0x11  }
0xc0: {  	s0 =	sor.u32 s1, s0  }
0xc1: {  	s0 =	sadd.s32 $0x8F2B, s0  }
0xc2: {  	[sflag:s0] =	ssyncadd.remote.s32 $0x1  }
0xc3: {  	_ =	sfence.sel $0xFFFF  }
0xc4: {  	[dreg:$0x0] =	wrdreg $0xFFFFFFFF;
	(pc) =	sbr.abs _section_cstart, $3  }
0xc5: {  	[dreg:$0x1] =	wrdreg $0xFFFFFFFF  }
0xc6: {  	_ =	task.clear_ibuf [dreg:s10], $0x2FFFF;
	_ =	strace $0x9FFFFFFF  }
0xc7: {  	(tm) =	ssettm $0x7FFFFFFF  }
tec
execute0_lowered:
.L_overlay_start_1:
0x0: {  	(tag) =	ssettag $0x1  }
0x1: {  	s5 =	rddreg [dreg:$0x0]  }
0x2: {  	s1 =	rddreg [dreg:$0x1]  }
0x3: {  	s3 =	rddreg [dreg:$0x2]  }
0x4: {  	s2 =	srdreg.scid;
	s0 =	stileid.u32  }
0x5: {  	s13 =	rddreg [dreg:$0x3];
	s4 =	simm.s32 $0x0;
	s16 =	simm.s32 $0x80  }
0x6: {  	s17 =	simm.s32 $0x280;
	s18 =	simm.s32 $0x100;
	s19 =	simm.s32 $0x300  }
0x7: {  	s20 =	simm.s32 $0x180;
	s21 =	simm.s32 $0x380;
	s22 =	simm.s32 $0x1  }
0x8: {  	s23 =	simm.s32 $0x400;
	s24 =	simm.s32 $0x2;
	s25 =	simm.s32 $0x600  }
0x9: {  	s26 =	simm.s32 $0x3;
	s6 =	sand.u32 $0x1, s2;
	s2 =	rddreg [dreg:$0x4]  }
0xa: {  	s28 =	simm.s32 $0x4;
	s7 =	sshll.u32 s0, $0x1;
	[smem:$0x7FF] =	sst s4  }
0xb: {  	s14 =	sor.u32 s6, s7;
	s6 =	ssub.s32 $0x2, s6;
	_ =	strace $0x80000047  }
0xc: {  	s7 =	sshll.u32 s14, $0x7;
	s8 =	sshrl.u32 s6, $0x1;
	s14 =	sshll.u32 s14, $0x6  }
0xd: {  	s5 =	sadd.s32 s5, s7;
	s15 =	ssub.s32 s6, s8;
	s13 =	sadd.s32 s13, s14  }
0xe: {  	s6 =	sadd.s32 $0x10, s5;
	s7 =	sadd.s32 $0x20, s5;
	s8 =	sadd.s32 $0x30, s5  }
0xf: {  	s9 =	sadd.s32 $0x40, s5;
	s10 =	sadd.s32 $0x50, s5;
	s11 =	sadd.s32 $0x60, s5  }
0x10: {  	s12 =	sadd.s32 $0x70, s5;
	s14 =	smax.u32 s15, $0x1;
	s15 =	simm.s32 $0x200  }
.LBB2_1:
0x11: {  	[tilespmem:s4], [sflag:$0x1] =	stream.linear.gather [hbm4b:s5+s4], $0x80, $0x38;
	[tilespmem:$0x800] =	vst v63  }
0x12: {  	_ = 	snop  }
0x13: {  	[tilespmem:s15], [sflag:$0x2] =	stream.linear.gather [hbm4b:s6+s4], $0x80, $0x38;
	[tilespmem:$0x800] =	vst v63  }
0x14: {  	_ = 	snop  }
0x15: {  	[tilespmem:s16], [sflag:$0x1] =	stream.linear.gather [hbm4b:s7+s4], $0x80, $0x38;
	[tilespmem:$0x800] =	vst v63  }
0x16: {  	_ = 	snop  }
0x17: {  	[tilespmem:s17], [sflag:$0x2] =	stream.linear.gather [hbm4b:s8+s4], $0x80, $0x38;
	[tilespmem:$0x800] =	vst v63  }
0x18: {  	_ = 	snop  }
0x19: {  	[tilespmem:s18], [sflag:$0x1] =	stream.linear.gather [hbm4b:s9+s4], $0x80, $0x38;
	[tilespmem:$0x800] =	vst v63  }
0x1a: {  	_ = 	snop  }
0x1b: {  	[tilespmem:s19], [sflag:$0x2] =	stream.linear.gather [hbm4b:s10+s4], $0x80, $0x38;
	[tilespmem:$0x800] =	vst v63  }
0x1c: {  	_ = 	snop  }
0x1d: {  	[tilespmem:s20], [sflag:$0x1] =	stream.linear.gather [hbm4b:s11+s4], $0x80, $0x38;
	[tilespmem:$0x800] =	vst v63  }
0x1e: {  	_ = 	snop  }
0x1f: {  	[tilespmem:s21], [sflag:$0x2] =	stream.linear.gather [hbm4b:s12+s4], $0x80, $0x38;
	[tilespmem:$0x800] =	vst v63  }
0x20: {  	_ =	swait.ge [sflag:s22], $0x80  }
0x21: {  	[sflag:s22] =	ssyncset.done $0x0  }
0x22: {  	[sflag:s22] =	ssyncadd.s32 $0xFFFFFF80  }
0x23: {  	_ =	swait.ge [sflag:s22], $0x80  }
0x24: {  	[sflag:s22] =	ssyncset.done $0x0  }
0x25: {  	[sflag:s22] =	ssyncadd.s32 $0xFFFFFF80  }
0x26: {  	_ =	swait.ge [sflag:s22], $0x80  }
0x27: {  	[sflag:s22] =	ssyncset.done $0x0  }
0x28: {  	[sflag:s22] =	ssyncadd.s32 $0xFFFFFF80  }
0x29: {  	_ =	swait.ge [sflag:s22], $0x80  }
0x2a: {  	[sflag:s22] =	ssyncset.done $0x0  }
0x2b: {  	[sflag:s22] =	ssyncadd.s32 $0xFFFFFF80  }
0x2c: {  	[tilespmem:s23], [sflag:$0x3] =	stream.indirect.gather [hbm4b:s1+s15], $0x1, s4, s15, $0xb8;
	[tilespmem:$0x800] =	vst v63  }
0x2d: {  	_ =	swait.ge [sflag:s24], $0x80  }
0x2e: {  	[sflag:s24] =	ssyncset.done $0x0  }
0x2f: {  	[sflag:s24] =	ssyncadd.s32 $0xFFFFFF80  }
0x30: {  	_ =	swait.ge [sflag:s24], $0x80  }
0x31: {  	[sflag:s24] =	ssyncset.done $0x0  }
0x32: {  	[sflag:s24] =	ssyncadd.s32 $0xFFFFFF80  }
0x33: {  	_ =	swait.ge [sflag:s24], $0x80  }
0x34: {  	[sflag:s24] =	ssyncset.done $0x0  }
0x35: {  	[sflag:s24] =	ssyncadd.s32 $0xFFFFFF80  }
0x36: {  	_ =	swait.ge [sflag:s24], $0x80  }
0x37: {  	[sflag:s24] =	ssyncset.done $0x0  }
0x38: {  	[sflag:s24] =	ssyncadd.s32 $0xFFFFFF80  }
0x39: {  	[tilespmem:s25], [sflag:$0x3] =	stream.indirect.gather [hbm4b:s3+s15], $0x1, s15, s15, $0xb8;
	[tilespmem:$0x800] =	vst v63  }
0x3a: {  	_ =	swait.ge [sflag:s26], $0x200  }
0x3b: {  	[sflag:s26] =	ssyncset.done $0x0  }
0x3c: {  	[sflag:s26] =	ssyncadd.s32 $0xFFFFFE00  }
0x3d: {  	_ =	swait.ge [sflag:s26], $0x200  }
0x3e: {  	[sflag:s26] =	ssyncset.done $0x0  }
0x3f: {  	[sflag:s26] =	ssyncadd.s32 $0xFFFFFE00  }
0x40: {  	v0 =	vld [tilespmem:$0x400]  }
0x41: {  	v1 =	vld [tilespmem:$0x600]  }
0x42: {  	v2 =	vld [tilespmem:$0x410]  }
0x43: {  	v3 =	vld [tilespmem:$0x610]  }
0x44: {  	v4 =	vld [tilespmem:$0x420]  }
0x45: {  	v5 =	vld [tilespmem:$0x620]  }
0x46: {  	v6 =	vld [tilespmem:$0x430]  }
0x47: {  	v7 =	vld [tilespmem:$0x630]  }
0x48: {  	v8 =	vld [tilespmem:$0x440]  }
0x49: {  	v9 =	vld [tilespmem:$0x640]  }
0x4a: {  	v10 =	vld [tilespmem:$0x450]  }
0x4b: {  	v11 =	vld [tilespmem:$0x650]  }
0x4c: {  	v12 =	vld [tilespmem:$0x460]  }
0x4d: {  	v13 =	vld [tilespmem:$0x660]  }
0x4e: {  	v14 =	vld [tilespmem:$0x470]  }
0x4f: {  	v15 =	vld [tilespmem:$0x670]  }
0x50: {  	v16 =	vld [tilespmem:$0x480]  }
0x51: {  	v17 =	vld [tilespmem:$0x680]  }
0x52: {  	v18 =	vld [tilespmem:$0x490]  }
0x53: {  	v19 =	vld [tilespmem:$0x690]  }
0x54: {  	v20 =	vld [tilespmem:$0x4A0]  }
0x55: {  	v21 =	vld [tilespmem:$0x6A0]  }
0x56: {  	v22 =	vld [tilespmem:$0x4B0]  }
0x57: {  	v23 =	vld [tilespmem:$0x6B0]  }
0x58: {  	v24 =	vld [tilespmem:$0x4C0]  }
0x59: {  	v25 =	vld [tilespmem:$0x6C0]  }
0x5a: {  	v26 =	vld [tilespmem:$0x4D0]  }
0x5b: {  	v27 =	vld [tilespmem:$0x6D0]  }
0x5c: {  	v28 =	vld [tilespmem:$0x4E0]  }
0x5d: {  	v29 =	vld [tilespmem:$0x6E0]  }
0x5e: {  	v30 =	vld [tilespmem:$0x4F0]  }
0x5f: {  	v31 =	vld [tilespmem:$0x6F0]  }
0x60: {  	v32 =	vld [tilespmem:$0x500]  }
0x61: {  	v33 =	vld [tilespmem:$0x700]  }
0x62: {  	v34 =	vld [tilespmem:$0x510]  }
0x63: {  	v35 =	vld [tilespmem:$0x710]  }
0x64: {  	v36 =	vld [tilespmem:$0x520]  }
0x65: {  	v46 =	vld [tilespmem:$0x720];
	v0 =	vmul.f32 v1, v0  }
0x66: {  	v47 =	vld [tilespmem:$0x530];
	v2 =	vmul.f32 v3, v2  }
0x67: {  	v49 =	vld [tilespmem:$0x730];
	v48 =	vmul.f32 v5, v4;
	[tilespmem:$0x400] =	vst v0  }
0x68: {  	v51 =	vld [tilespmem:$0x540];
	v50 =	vmul.f32 v7, v6;
	[tilespmem:$0x410] =	vst v2  }
0x69: {  	v53 =	vld [tilespmem:$0x740];
	v52 =	vmul.f32 v9, v8;
	[tilespmem:$0x420] =	vst v48  }
0x6a: {  	v55 =	vld [tilespmem:$0x550];
	v54 =	vmul.f32 v11, v10;
	[tilespmem:$0x430] =	vst v50  }
0x6b: {  	v57 =	vld [tilespmem:$0x750];
	v56 =	vmul.f32 v13, v12;
	[tilespmem:$0x440] =	vst v52  }
0x6c: {  	v59 =	vld [tilespmem:$0x560];
	v58 =	vmul.f32 v15, v14;
	[tilespmem:$0x450] =	vst v54  }
0x6d: {  	v61 =	vld [tilespmem:$0x760];
	v60 =	vmul.f32 v17, v16;
	[tilespmem:$0x460] =	vst v56  }
0x6e: {  	v63 =	vld [tilespmem:$0x570];
	v62 =	vmul.f32 v19, v18;
	[tilespmem:$0x470] =	vst v58  }
0x6f: {  	v37 =	vld [tilespmem:$0x5A0];
	v20 =	vmul.f32 v21, v20;
	[tilespmem:$0x480] =	vst v60  }
0x70: {  	v39 =	vld [tilespmem:$0x7A0];
	v22 =	vmul.f32 v23, v22;
	[tilespmem:$0x490] =	vst v62  }
0x71: {  	v41 =	vld [tilespmem:$0x5B0];
	v24 =	vmul.f32 v25, v24;
	[tilespmem:$0x4A0] =	vst v20  }
0x72: {  	v43 =	vld [tilespmem:$0x7B0];
	v26 =	vmul.f32 v27, v26;
	[tilespmem:$0x4B0] =	vst v22  }
0x73: {  	v45 =	vld [tilespmem:$0x5C0];
	v28 =	vmul.f32 v29, v28;
	[tilespmem:$0x4C0] =	vst v24  }
0x74: {  	v21 =	vld [tilespmem:$0x770];
	v31 =	vmul.f32 v31, v30;
	[tilespmem:$0x4D0] =	vst v26  }
0x75: {  	v23 =	vld [tilespmem:$0x580];
	v38 =	vmul.f32 v33, v32;
	[tilespmem:$0x4E0] =	vst v28  }
0x76: {  	v25 =	vld [tilespmem:$0x780];
	v40 =	vmul.f32 v35, v34;
	[tilespmem:$0x4F0] =	vst v31  }
0x77: {  	v27 =	vld [tilespmem:$0x590];
	v42 =	vmul.f32 v46, v36;
	[tilespmem:$0x500] =	vst v38  }
0x78: {  	v29 =	vld [tilespmem:$0x790];
	v44 =	vmul.f32 v49, v47;
	[tilespmem:$0x510] =	vst v40  }
0x79: {  	v46 =	vmul.f32 v53, v51;
	v47 =	vld [tilespmem:$0x7C0];
	[tilespmem:$0x520] =	vst v42  }
0x7a: {  	v49 =	vld [tilespmem:$0x5D0];
	v1 =	vmul.f32 v43, v41;
	[tilespmem:$0x530] =	vst v44  }
0x7b: {  	v51 =	vld [tilespmem:$0x7D0];
	v48 =	vmul.f32 v57, v55;
	[tilespmem:$0x540] =	vst v46  }
0x7c: {  	v53 =	vld [tilespmem:$0x5E0];
	v50 =	vmul.f32 v61, v59;
	[tilespmem:$0x5B0] =	vst v1  }
0x7d: {  	v55 =	vld [tilespmem:$0x7E0];
	v58 =	vmul.f32 v39, v37;
	[tilespmem:$0x550] =	vst v48  }
0x7e: {  	v57 =	vld [tilespmem:$0x5F0];
	[tilespmem:$0x560] =	vst v50;
	v52 =	vmul.f32 v21, v63  }
0x7f: {  	v59 =	vld [tilespmem:$0x7F0];
	[tilespmem:$0x5A0] =	vst v58;
	v54 =	vmul.f32 v25, v23  }
0x80: {  	v56 =	vmul.f32 v29, v27;
	[tilespmem:$0x570] =	vst v52  }
0x81: {  	v60 =	vmul.f32 v47, v45;
	[tilespmem:$0x580] =	vst v54  }
0x82: {  	v61 =	vmul.f32 v51, v49;
	[tilespmem:$0x590] =	vst v56  }
0x83: {  	[tilespmem:$0x5C0] =	vst v60;
	v62 =	vmul.f32 v55, v53  }
0x84: {  	[tilespmem:$0x5D0] =	vst v61;
	v63 =	vmul.f32 v59, v57  }
0x85: {  	p0 =	sne.s32 s14, $0x1;
	[tilespmem:$0x5E0] =	vst v62  }
.Ltmp0:
0x86: {  	[tilespmem:$0x5F0] =	vst v63;
	(pc) =	sbr.rel @p0 .LBB2_1-.Ltmp0, $4  }
0x87: {  	[hbm4b:s13+s4] =	stream.linear.scatter [tilespmem:s23], [sflag:$0x4], $0x200, $0x38;
	[tilespmem:$0x800] =	vst v63  }
0x88: {  	_ =	swait.ge [sflag:s28], $0x200  }
0x89: {  	[sflag:s28] =	ssyncset.done $0x0  }
0x8a: {  	s14 =	sadd.s32 $0xFFFFFFFF, s14;
	[sflag:s28] =	ssyncadd.s32 $0xFFFFFE00  }
0x8b: {  	_ =	sfence.sel $0x180000  }
0x8c: {  	[bflag:$0x0] =	sbarrier.arrive $0xFFFF  }
0x8d: {  	p0 =	sne.s32 s0, $0x0;
	_ =	strace $0x90000047  }
0x8e: {  	s0 =	sadd.s32 @!p0 $0x100000, s2;
	[bflag:$0x2] =	sbarrier.arrive $0xFFFF  }
0x8f: {  	[sflag:s0] =	ssyncadd.tile.s32 @!p0 $0x1;
	_ =	shalt  }
.Lfunc_end2:
_tile_overlayer_lowered:
.L_overlay_start_2:
0x90: {  	(tag) =	ssettag $0x2  }
0x91: {  	s0 =	rddreg [dreg:$0x0];
	s2 =	stileid.u32  }
0x92: {  	s1 =	rddreg [dreg:$0x1];
	p0 =	sne.s32 s2, $0x0  }
0x93: {  	s3 =	rddreg [dreg:$0x2];
	[bflag:$0x3] =	sbarrier.arrive $0xFFFF;
	s2 =	simm.s32 @!p0 $0x1C04  }
0x94: {  	[timem:s3], [sflag:s2] =	dma.local @!p0 [hbm:s0], s1  }
0x95: {  	s0 =	simm.s32 @!p0 $0x4  }
0x96: {  	_ =	swait.ge @!p0 [sflag:s0], s1  }
0x97: {  	s1 =	ssub.s32 @!p0 $0x0, s1;
	[sflag:s0] =	ssyncset.done @!p0 $0x0  }
0x98: {  	[sflag:s0] =	ssyncadd.s32 @!p0 s1  }
0x99: {  	[bflag:$0x3] =	sbarrier.arrive $0xFFFF  }
0x9a: {  	_ =	shalt  }

</sc_bundles>
